<compile_context>
chip_gen: v7x
topology: tpu7x:2x2x1
jax: 0.10.2.dev20260603
libtpu: 0.0.44.dev20260713+nightly
codegen_flags: <defaults>
</compile_context>

<pallas_src>
import jax
import jax.numpy as jnp
from jax import lax
from jax.experimental import pallas as pl
from jax.experimental.pallas import tpu as pltpu
from jax.experimental.pallas import tpu_sc as plsc

N = 8
P = 16384
S = 2048
NC = 2
NS = 16
L = 16

ROWS_PER_CORE = N // NC
TILES_PER_ROW = NS // ROWS_PER_CORE
PTS_PER_TILE = P // TILES_PER_ROW
CHUNKS = PTS_PER_TILE // L
UNROLL = 4
GROUPS = CHUNKS // UNROLL
SLOTS = ROWS_PER_CORE * TILES_PER_ROW * 2 * L

_GATHER_DNUMS = lax.GatherDimensionNumbers(
    offset_dims=(), collapsed_slice_dims=(0,), start_index_map=(0,))


def _take(vec, idx_vec):
    return lax.gather(vec, idx_vec[:, None], _GATHER_DNUMS, (1,),
                      mode=lax.GatherScatterMode.PROMISE_IN_BOUNDS)


def _bcast_lane(vec, lane):
    return _take(vec, jnp.full((L,), lane, jnp.int32))


def _fps_body(pts_hbm, idx_hbm, samp_hbm,
              x_ref, y_ref, z_ref, dist_ref, idx_buf, samp_x, samp_y, samp_z,
              recv_f, pub_f, shared_f):
    c = lax.axis_index("c")
    s = lax.axis_index("s")
    rowslot = s // TILES_PER_ROW
    row = c * ROWS_PER_CORE + rowslot
    t = s % TILES_PER_ROW
    base = t * PTS_PER_TILE

    pltpu.sync_copy(pts_hbm.at[pl.ds(row * 3 * P, P)], x_ref)
    pltpu.sync_copy(pts_hbm.at[pl.ds(row * 3 * P + P, P)], y_ref)
    pltpu.sync_copy(pts_hbm.at[pl.ds(row * 3 * P + 2 * P, P)], z_ref)

    big = jnp.full((L,), 1e10, jnp.float32)

    def init_chunk(j, _):
        dist_ref[pl.ds(j * L, L)] = big
        return 0

    lax.fori_loop(0, CHUNKS, init_chunk, 0, unroll=8)

    zero16 = jnp.zeros((L,), jnp.int32)
    lane_iota = lax.broadcasted_iota(jnp.int32, (L,), 0)

    cx0 = _take(x_ref[pl.ds(0, L)], zero16)
    cy0 = _take(y_ref[pl.ds(0, L)], zero16)
    cz0 = _take(z_ref[pl.ds(0, L)], zero16)

    def comb(a, b):
        va, ka = a
        vb, kb = b
        better = vb > va
        return (jnp.where(better, vb, va), jnp.where(better, kb, ka))

    def fps_iter(i, carry):
        cx, cy, cz, idxv, acc = carry

        acc = jnp.where(lane_iota == (i & (L - 1)), idxv, acc)

        @pl.when(jnp.logical_and(t == 0, (i & (L - 1)) == (L - 1)))
        def _():
            idx_buf[pl.ds(i - (L - 1), L)] = acc

        @plsc.parallel_loop(0, CHUNKS, step=UNROLL, unroll=2,
                            carry=(jnp.full((L,), -1.0, jnp.float32), zero16))
        def scan(g, mk):
            cands = []
            for u in range(UNROLL):
                sl = pl.ds(base + (g + u) * L, L)
                dx = x_ref[sl] - cx
                dy = y_ref[sl] - cy
                dz = z_ref[sl] - cz
                d = dx * dx + dy * dy + dz * dz
                dsl = pl.ds((g + u) * L, L)
                dn = jnp.minimum(dist_ref[dsl], d)
                dist_ref[dsl] = dn
                cands.append((dn, jnp.full((L,), g + u, jnp.int32)))
            while len(cands) > 1:
                cands = [comb(cands[2 * q], cands[2 * q + 1])
                         for q in range(len(cands) // 2)]
            return comb(mk, cands[0])

        m, k = scan

        kg = k * L + lane_iota + jnp.full((L,), base, jnp.int32)
        pub_f[pl.ds(0, L)] = m
        pub_f[pl.ds(L, L)] = plsc.bitcast(kg, jnp.float32)
        buf = (i & 1) * SLOTS
        slot = buf + (rowslot * TILES_PER_ROW + t) * 2 * L
        pltpu.sync_copy(pub_f, shared_f.at[pl.ds(slot, 2 * L)])
        plsc.subcore_barrier()
        rbase = buf + rowslot * TILES_PER_ROW * 2 * L
        pltpu.sync_copy(shared_f.at[pl.ds(rbase, TILES_PER_ROW * 2 * L)],
                        recv_f)

        bm = recv_f[pl.ds(0, L)]
        bk = plsc.bitcast(recv_f[pl.ds(L, L)], jnp.int32)
        for tt in range(1, TILES_PER_ROW):
            rm = recv_f[pl.ds(tt * 2 * L, L)]
            rk = plsc.bitcast(recv_f[pl.ds(tt * 2 * L + L, L)], jnp.int32)
            bm, bk = comb((bm, bk), (rm, rk))
        mmax = bm
        for sh in (1, 2, 4, 8):
            mmax = jnp.maximum(mmax, _take(mmax, lane_iota ^ sh))
        cand = jnp.where(bm == mmax, bk, jnp.full((L,), P, jnp.int32))
        nidx = cand
        for sh in (1, 2, 4, 8):
            nidx = jnp.minimum(nidx, _take(nidx, lane_iota ^ sh))
        ncx = plsc.load_gather(x_ref, [nidx])
        ncy = plsc.load_gather(y_ref, [nidx])
        ncz = plsc.load_gather(z_ref, [nidx])
        return (ncx, ncy, ncz, nidx, acc)

    lax.fori_loop(0, S, fps_iter, (cx0, cy0, cz0, zero16, zero16))

    @pl.when(t == 0)
    def _():
        def out_chunk(j, _):
            sl = pl.ds(j * L, L)
            iv = idx_buf[sl]
            samp_x[sl] = plsc.load_gather(x_ref, [iv])
            samp_y[sl] = plsc.load_gather(y_ref, [iv])
            samp_z[sl] = plsc.load_gather(z_ref, [iv])
            return 0

        lax.fori_loop(0, S // L, out_chunk, 0, unroll=4)
        pltpu.sync_copy(idx_buf, idx_hbm.at[pl.ds(row * S, S)])
        pltpu.sync_copy(samp_x, samp_hbm.at[pl.ds(row * 3 * S, S)])
        pltpu.sync_copy(samp_y, samp_hbm.at[pl.ds(row * 3 * S + S, S)])
        pltpu.sync_copy(samp_z, samp_hbm.at[pl.ds(row * 3 * S + 2 * S, S)])


@jax.jit
def kernel(points):
    pts_t = points.transpose(0, 2, 1).reshape(N * 3 * P)

    fps = pl.kernel(
        _fps_body,
        out_type=(
            jax.ShapeDtypeStruct((N * S,), jnp.int32),
            jax.ShapeDtypeStruct((N * 3 * S,), jnp.float32),
        ),
        mesh=plsc.VectorSubcoreMesh(core_axis_name="c", subcore_axis_name="s",
                                    num_cores=NC, num_subcores=NS),
        compiler_params=pltpu.CompilerParams(needs_layout_passes=False),
        scratch_types=[
            pltpu.VMEM((P,), jnp.float32),
            pltpu.VMEM((P,), jnp.float32),
            pltpu.VMEM((P,), jnp.float32),
            pltpu.VMEM((PTS_PER_TILE,), jnp.float32),
            pltpu.VMEM((S,), jnp.int32),
            pltpu.VMEM((S,), jnp.float32),
            pltpu.VMEM((S,), jnp.float32),
            pltpu.VMEM((S,), jnp.float32),
            pltpu.VMEM((TILES_PER_ROW * 2 * L,), jnp.float32),
            pltpu.VMEM((2 * L,), jnp.float32),
            pltpu.VMEM_SHARED((2 * SLOTS,), jnp.float32),
        ],
    )
    idx_flat, samp_flat = fps(pts_t)
    indices = idx_flat.reshape(N, S)
    sampled = samp_flat.reshape(N, 3, S).transpose(0, 2, 1)
    return (indices, sampled)

# --- scband reference (transcript-rebuilt; emitter-appended) ---
"""Pipeline reference for scband-farthest-point-sampling-38001870635075 (READ-ONLY COPY).

The authoritative reference and input builder live on the scoring server;
editing this copy changes nothing except your own understanding.
"""

import jax, jax.numpy as jnp
import numpy as np

NSAMPLES = 2048


def setup_inputs(seed: int = 0) -> dict:
    key = jax.random.key(seed)
    points = jax.random.normal(key, (8, 16384, 3), dtype=jnp.float32)
    return {"points": points}


def furthest_point_sampling(points, nsamples):
    N, P, _ = points.shape

    def body(i, state):
        indices, dists, farthest = state
        indices = indices.at[:, i].set(farthest)
        # gather current farthest point as centroid: (N, 1, 3)
        centroid = jnp.take_along_axis(points, farthest[:, None, None], axis=1)
        d = jnp.sum((points - centroid) ** 2, axis=-1)  # (N, P)
        dists = jnp.minimum(dists, d)
        farthest = jnp.argmax(dists, axis=-1).astype(jnp.int32)
        return (indices, dists, farthest)

    indices0 = jnp.zeros((N, nsamples), dtype=jnp.int32)
    dists0 = jnp.full((N, P), 1e10, dtype=jnp.float32)
    farthest0 = jnp.zeros((N,), dtype=jnp.int32)  # start from point 0 (matches CUDA FPS kernels)
    indices, _, _ = jax.lax.fori_loop(0, nsamples, body, (indices0, dists0, farthest0))
    return indices


def reference(points):
    indices = furthest_point_sampling(points, NSAMPLES)
    # gather_points: (N, P, 3) gathered at indices -> (N, nsamples, 3)
    sampled_points = jnp.take_along_axis(points, indices[:, :, None], axis=1)
    return (indices, sampled_points)

if __name__ == "__main__":
    import jax
    _d = setup_inputs()
    print(jax.jit(kernel)(*tuple(_d.values())))

</pallas_src>

<mosaic_0001>
#map = affine_map<(d0, d1) -> (0)>
module attributes {stable_mosaic.version = 14 : i64} {
  func.func @_fps_body(%arg0: i32, %arg1: i32, %arg2: memref<393216xf32, #tpu.memory_space<hbm>>, %arg3: memref<16384xi32, #tpu.memory_space<hbm>>, %arg4: memref<49152xf32, #tpu.memory_space<hbm>>, %arg5: memref<16384xf32, #tpu.memory_space<vmem>>, %arg6: memref<16384xf32, #tpu.memory_space<vmem>>, %arg7: memref<16384xf32, #tpu.memory_space<vmem>>, %arg8: memref<4096xf32, #tpu.memory_space<vmem>>, %arg9: memref<2048xi32, #tpu.memory_space<vmem>>, %arg10: memref<2048xf32, #tpu.memory_space<vmem>>, %arg11: memref<2048xf32, #tpu.memory_space<vmem>>, %arg12: memref<2048xf32, #tpu.memory_space<vmem>>, %arg13: memref<128xf32, #tpu.memory_space<vmem>>, %arg14: memref<32xf32, #tpu.memory_space<vmem>>, %arg15: memref<1024xf32, #tpu.memory_space<vmem_shared>>) attributes {dimension_semantics = [#tpu.dimension_semantics<core_parallel>, #tpu.dimension_semantics<subcore_parallel>], iteration_bounds = array<i64: 2, 16>, scalar_prefetch = 0 : i64, scratch_operands = 11 : i64, tpu.core_type = #tpu.core_type<sc_vector_subcore>, window_params = [{transform_indices = #map}, {transform_indices = #map}, {transform_indices = #map}]} {
    %jit3A = arith.constant 4 : i32
    %div3A = arith.divsi %arg1, %jit3A : i32
    %sign3A = arith.constant 0 : i32
    %sign3A_0 = arith.cmpi sgt, %arg1, %sign3A : i32
    %sign3A_1 = arith.extui %sign3A_0 : i1 to i32
    %sign3A_2 = arith.constant 0 : i32
    %sign3A_3 = arith.cmpi slt, %arg1, %sign3A_2 : i32
    %sign3A_4 = arith.extui %sign3A_3 : i1 to i32
    %sign3A_5 = arith.subi %sign3A_1, %sign3A_4 : i32
    %sign3A_6 = arith.constant 0 : i32
    %sign3A_7 = arith.cmpi sgt, %jit3A, %sign3A_6 : i32
    %sign3A_8 = arith.extui %sign3A_7 : i1 to i32
    %sign3A_9 = arith.constant 0 : i32
    %sign3A_10 = arith.cmpi slt, %jit3A, %sign3A_9 : i32
    %sign3A_11 = arith.extui %sign3A_10 : i1 to i32
    %sign3A_12 = arith.subi %sign3A_8, %sign3A_11 : i32
    %ne3A = arith.cmpi ne, %sign3A_5, %sign3A_12 : i32
    %rem3A = arith.remsi %arg1, %jit3A : i32
    %ne3A_13 = arith.constant 0 : i32
    %ne3A_14 = arith.cmpi ne, %rem3A, %ne3A_13 : i32
    %and3A = arith.andi %ne3A, %ne3A_14 : i1
    %sub3A = arith.constant 1 : i32
    %sub3A_15 = arith.subi %div3A, %sub3A : i32
    %select_n3A = arith.select %and3A, %sub3A_15, %div3A : i32
    %mul3A = arith.constant 4 : i32
    %mul3A_16 = arith.muli %arg0, %mul3A : i32
    %add3A = arith.addi %mul3A_16, %select_n3A : i32
    %jit3A_17 = arith.constant 4 : i32
    %eq3A = arith.constant 0 : i32
    %eq3A_18 = arith.cmpi eq, %jit3A_17, %eq3A : i32
    %jit3A_19 = arith.constant 1 : i32
    %select_n3A_20 = arith.select %eq3A_18, %jit3A_19, %jit3A_17 : i32
    %rem3A_21 = arith.remsi %arg1, %select_n3A_20 : i32
    %ne3A_22 = arith.constant 0 : i32
    %ne3A_23 = arith.cmpi ne, %rem3A_21, %ne3A_22 : i32
    %lt3A = arith.constant 0 : i32
    %lt3A_24 = arith.cmpi slt, %rem3A_21, %lt3A : i32
    %lt3A_25 = arith.constant 0 : i32
    %lt3A_26 = arith.cmpi slt, %select_n3A_20, %lt3A_25 : i32
    %ne3A_27 = arith.xori %lt3A_24, %lt3A_26 : i1
    %and3A_28 = arith.andi %ne3A_27, %ne3A_23 : i1
    %add3A_29 = arith.addi %rem3A_21, %select_n3A_20 : i32
    %select_n3A_30 = arith.select %and3A_28, %add3A_29, %rem3A_21 : i32
    %mul3A_31 = arith.constant 4096 : i32
    %mul3A_32 = arith.muli %select_n3A_30, %mul3A_31 : i32
    %mul3A_33 = arith.constant 3 : i32
    %mul3A_34 = arith.muli %add3A, %mul3A_33 : i32
    %mul3A_35 = arith.constant 16384 : i32
    %mul3A_36 = arith.muli %mul3A_34, %mul3A_35 : i32
    "tpu.region"() ({
      %run_scoped3A = tpu.sem_alloc : memref<!tpu.dma_semaphore, #tpu.memory_space<semaphore_mem>>
      %dma_start3A = tpu.memref_slice %arg2[%mul3A_36] : memref<393216xf32, #tpu.memory_space<hbm>> -> memref<16384xf32, #tpu.memory_space<hbm>>
      %dma_start3A_80 = tpu.memref_slice %arg2[%mul3A_36] : memref<393216xf32, #tpu.memory_space<hbm>> -> memref<16384xf32, #tpu.memory_space<hbm>>
      tpu.enqueue_dma source(%dma_start3A_80 : memref<16384xf32, #tpu.memory_space<hbm>>) target(%arg5 : memref<16384xf32, #tpu.memory_space<vmem>>) target_semaphore(%run_scoped3A : memref<!tpu.dma_semaphore, #tpu.memory_space<semaphore_mem>>)
      %dma_wait3A = tpu.memref_slice %arg2[%mul3A_36] : memref<393216xf32, #tpu.memory_space<hbm>> -> memref<16384xf32, #tpu.memory_space<hbm>>
      %dma_wait3A_81 = tpu.memref_slice %arg2[%mul3A_36] : memref<393216xf32, #tpu.memory_space<hbm>> -> memref<16384xf32, #tpu.memory_space<hbm>>
      tpu.wait_dma2 semaphore(%run_scoped3A : memref<!tpu.dma_semaphore, #tpu.memory_space<semaphore_mem>>) src(%dma_wait3A_81 : memref<16384xf32, #tpu.memory_space<hbm>>) dst(%arg5 : memref<16384xf32, #tpu.memory_space<vmem>>)
      tpu.yield
    }) : () -> ()
    %mul3A_37 = arith.constant 3 : i32
    %mul3A_38 = arith.muli %add3A, %mul3A_37 : i32
    %mul3A_39 = arith.constant 16384 : i32
    %mul3A_40 = arith.muli %mul3A_38, %mul3A_39 : i32
    %add3A_41 = arith.constant 16384 : i32
    %add3A_42 = arith.addi %mul3A_40, %add3A_41 : i32
    "tpu.region"() ({
      %run_scoped3A = tpu.sem_alloc : memref<!tpu.dma_semaphore, #tpu.memory_space<semaphore_mem>>
      %dma_start3A = tpu.memref_slice %arg2[%add3A_42] : memref<393216xf32, #tpu.memory_space<hbm>> -> memref<16384xf32, #tpu.memory_space<hbm>>
      %dma_start3A_80 = tpu.memref_slice %arg2[%add3A_42] : memref<393216xf32, #tpu.memory_space<hbm>> -> memref<16384xf32, #tpu.memory_space<hbm>>
      tpu.enqueue_dma source(%dma_start3A_80 : memref<16384xf32, #tpu.memory_space<hbm>>) target(%arg6 : memref<16384xf32, #tpu.memory_space<vmem>>) target_semaphore(%run_scoped3A : memref<!tpu.dma_semaphore, #tpu.memory_space<semaphore_mem>>)
      %dma_wait3A = tpu.memref_slice %arg2[%add3A_42] : memref<393216xf32, #tpu.memory_space<hbm>> -> memref<16384xf32, #tpu.memory_space<hbm>>
      %dma_wait3A_81 = tpu.memref_slice %arg2[%add3A_42] : memref<393216xf32, #tpu.memory_space<hbm>> -> memref<16384xf32, #tpu.memory_space<hbm>>
      tpu.wait_dma2 semaphore(%run_scoped3A : memref<!tpu.dma_semaphore, #tpu.memory_space<semaphore_mem>>) src(%dma_wait3A_81 : memref<16384xf32, #tpu.memory_space<hbm>>) dst(%arg6 : memref<16384xf32, #tpu.memory_space<vmem>>)
      tpu.yield
    }) : () -> ()
    %mul3A_43 = arith.constant 3 : i32
    %mul3A_44 = arith.muli %add3A, %mul3A_43 : i32
    %mul3A_45 = arith.constant 16384 : i32
    %mul3A_46 = arith.muli %mul3A_44, %mul3A_45 : i32
    %add3A_47 = arith.constant 32768 : i32
    %add3A_48 = arith.addi %mul3A_46, %add3A_47 : i32
    "tpu.region"() ({
      %run_scoped3A = tpu.sem_alloc : memref<!tpu.dma_semaphore, #tpu.memory_space<semaphore_mem>>
      %dma_start3A = tpu.memref_slice %arg2[%add3A_48] : memref<393216xf32, #tpu.memory_space<hbm>> -> memref<16384xf32, #tpu.memory_space<hbm>>
      %dma_start3A_80 = tpu.memref_slice %arg2[%add3A_48] : memref<393216xf32, #tpu.memory_space<hbm>> -> memref<16384xf32, #tpu.memory_space<hbm>>
      tpu.enqueue_dma source(%dma_start3A_80 : memref<16384xf32, #tpu.memory_space<hbm>>) target(%arg7 : memref<16384xf32, #tpu.memory_space<vmem>>) target_semaphore(%run_scoped3A : memref<!tpu.dma_semaphore, #tpu.memory_space<semaphore_mem>>)
      %dma_wait3A = tpu.memref_slice %arg2[%add3A_48] : memref<393216xf32, #tpu.memory_space<hbm>> -> memref<16384xf32, #tpu.memory_space<hbm>>
      %dma_wait3A_81 = tpu.memref_slice %arg2[%add3A_48] : memref<393216xf32, #tpu.memory_space<hbm>> -> memref<16384xf32, #tpu.memory_space<hbm>>
      tpu.wait_dma2 semaphore(%run_scoped3A : memref<!tpu.dma_semaphore, #tpu.memory_space<semaphore_mem>>) src(%dma_wait3A_81 : memref<16384xf32, #tpu.memory_space<hbm>>) dst(%arg7 : memref<16384xf32, #tpu.memory_space<vmem>>)
      tpu.yield
    }) : () -> ()
    %broadcast_in_dim3A = arith.constant 1.000000e+10 : f32
    %broadcast_in_dim3A_49 = vector.broadcast %broadcast_in_dim3A : f32 to vector<16xf32>
    %scan3A = arith.constant 0 : i32
    %scan3A_50 = arith.constant 0 : i32
    %scan3A_51 = arith.constant 256 : i32
    %scan3A_52 = arith.addi %scan3A_50, %scan3A_51 : i32
    %scan3A_53 = arith.constant 8 : i32
    %scan3A_54 = scf.for %scan3A_80 = %scan3A_50 to %scan3A_52 step %scan3A_53 iter_args(%scan3A_81 = %scan3A) -> (i32)  : i32 {
      %mul3A_82 = arith.constant 16 : i32
      %mul3A_83 = arith.muli %scan3A_80, %mul3A_82 : i32
      %swap3A = arith.index_cast %mul3A_83 : i32 to index
      %swap3A_84 = tpu.vector_load %arg8[%swap3A] {strides = array<i32>} : memref<4096xf32, #tpu.memory_space<vmem>>, vector<16xf32>,
      tpu.vector_store %arg8[%swap3A], %broadcast_in_dim3A_49 {strides = array<i32>} : memref<4096xf32, #tpu.memory_space<vmem>>, vector<16xf32>,
      %scan3A_85 = arith.constant 0 : i32
      %scan3A_86 = arith.constant 1 : i32
      %scan3A_87 = arith.addi %scan3A_80, %scan3A_86 : i32
      %mul3A_88 = arith.constant 16 : i32
      %mul3A_89 = arith.muli %scan3A_87, %mul3A_88 : i32
      %swap3A_90 = arith.index_cast %mul3A_89 : i32 to index
      %swap3A_91 = tpu.vector_load %arg8[%swap3A_90] {strides = array<i32>} : memref<4096xf32, #tpu.memory_space<vmem>>, vector<16xf32>,
      tpu.vector_store %arg8[%swap3A_90], %broadcast_in_dim3A_49 {strides = array<i32>} : memref<4096xf32, #tpu.memory_space<vmem>>, vector<16xf32>,
      %scan3A_92 = arith.constant 0 : i32
      %scan3A_93 = arith.constant 2 : i32
      %scan3A_94 = arith.addi %scan3A_80, %scan3A_93 : i32
      %mul3A_95 = arith.constant 16 : i32
      %mul3A_96 = arith.muli %scan3A_94, %mul3A_95 : i32
      %swap3A_97 = arith.index_cast %mul3A_96 : i32 to index
      %swap3A_98 = tpu.vector_load %arg8[%swap3A_97] {strides = array<i32>} : memref<4096xf32, #tpu.memory_space<vmem>>, vector<16xf32>,
      tpu.vector_store %arg8[%swap3A_97], %broadcast_in_dim3A_49 {strides = array<i32>} : memref<4096xf32, #tpu.memory_space<vmem>>, vector<16xf32>,
      %scan3A_99 = arith.constant 0 : i32
      %scan3A_100 = arith.constant 3 : i32
      %scan3A_101 = arith.addi %scan3A_80, %scan3A_100 : i32
      %mul3A_102 = arith.constant 16 : i32
      %mul3A_103 = arith.muli %scan3A_101, %mul3A_102 : i32
      %swap3A_104 = arith.index_cast %mul3A_103 : i32 to index
      %swap3A_105 = tpu.vector_load %arg8[%swap3A_104] {strides = array<i32>} : memref<4096xf32, #tpu.memory_space<vmem>>, vector<16xf32>,
      tpu.vector_store %arg8[%swap3A_104], %broadcast_in_dim3A_49 {strides = array<i32>} : memref<4096xf32, #tpu.memory_space<vmem>>, vector<16xf32>,
      %scan3A_106 = arith.constant 0 : i32
      %scan3A_107 = arith.constant 4 : i32
      %scan3A_108 = arith.addi %scan3A_80, %scan3A_107 : i32
      %mul3A_109 = arith.constant 16 : i32
      %mul3A_110 = arith.muli %scan3A_108, %mul3A_109 : i32
      %swap3A_111 = arith.index_cast %mul3A_110 : i32 to index
      %swap3A_112 = tpu.vector_load %arg8[%swap3A_111] {strides = array<i32>} : memref<4096xf32, #tpu.memory_space<vmem>>, vector<16xf32>,
      tpu.vector_store %arg8[%swap3A_111], %broadcast_in_dim3A_49 {strides = array<i32>} : memref<4096xf32, #tpu.memory_space<vmem>>, vector<16xf32>,
      %scan3A_113 = arith.constant 0 : i32
      %scan3A_114 = arith.constant 5 : i32
      %scan3A_115 = arith.addi %scan3A_80, %scan3A_114 : i32
      %mul3A_116 = arith.constant 16 : i32
      %mul3A_117 = arith.muli %scan3A_115, %mul3A_116 : i32
      %swap3A_118 = arith.index_cast %mul3A_117 : i32 to index
      %swap3A_119 = tpu.vector_load %arg8[%swap3A_118] {strides = array<i32>} : memref<4096xf32, #tpu.memory_space<vmem>>, vector<16xf32>,
      tpu.vector_store %arg8[%swap3A_118], %broadcast_in_dim3A_49 {strides = array<i32>} : memref<4096xf32, #tpu.memory_space<vmem>>, vector<16xf32>,
      %scan3A_120 = arith.constant 0 : i32
      %scan3A_121 = arith.constant 6 : i32
      %scan3A_122 = arith.addi %scan3A_80, %scan3A_121 : i32
      %mul3A_123 = arith.constant 16 : i32
      %mul3A_124 = arith.muli %scan3A_122, %mul3A_123 : i32
      %swap3A_125 = arith.index_cast %mul3A_124 : i32 to index
      %swap3A_126 = tpu.vector_load %arg8[%swap3A_125] {strides = array<i32>} : memref<4096xf32, #tpu.memory_space<vmem>>, vector<16xf32>,
      tpu.vector_store %arg8[%swap3A_125], %broadcast_in_dim3A_49 {strides = array<i32>} : memref<4096xf32, #tpu.memory_space<vmem>>, vector<16xf32>,
      %scan3A_127 = arith.constant 0 : i32
      %scan3A_128 = arith.constant 7 : i32
      %scan3A_129 = arith.addi %scan3A_80, %scan3A_128 : i32
      %mul3A_130 = arith.constant 16 : i32
      %mul3A_131 = arith.muli %scan3A_129, %mul3A_130 : i32
      %swap3A_132 = arith.index_cast %mul3A_131 : i32 to index
      %swap3A_133 = tpu.vector_load %arg8[%swap3A_132] {strides = array<i32>} : memref<4096xf32, #tpu.memory_space<vmem>>, vector<16xf32>,
      tpu.vector_store %arg8[%swap3A_132], %broadcast_in_dim3A_49 {strides = array<i32>} : memref<4096xf32, #tpu.memory_space<vmem>>, vector<16xf32>,
      %scan3A_134 = arith.constant 0 : i32
      scf.yield %scan3A_134 : i32
    }
    %scan3A_55 = arith.constant 256 : i32
    %broadcast_in_dim3A_56 = arith.constant 0 : i32
    %broadcast_in_dim3A_57 = vector.broadcast %broadcast_in_dim3A_56 : i32 to vector<16xi32>
    %iota3A = tpu.iota {dimensions = array<i32: 0>} : vector<16xi32>
    %get3A = arith.constant 0 : index
    %get3A_58 = tpu.vector_load %arg5[%get3A] {strides = array<i32>} : memref<16384xf32, #tpu.memory_space<vmem>>, vector<16xf32>,
    %broadcast_in_dim3A_59 = vector.shape_cast %broadcast_in_dim3A_57 : vector<16xi32> to vector<16x1xi32>
    %gather3A = vector.shape_cast %broadcast_in_dim3A_59 : vector<16x1xi32> to vector<16xi32>
    %gather3A_60 = tpu.dynamic_gather %get3A_58[%gather3A] in [0] : vector<16xf32>, vector<16xi32> -> vector<16xf32>
    %get3A_61 = arith.constant 0 : index
    %get3A_62 = tpu.vector_load %arg6[%get3A_61] {strides = array<i32>} : memref<16384xf32, #tpu.memory_space<vmem>>, vector<16xf32>,
    %broadcast_in_dim3A_63 = vector.shape_cast %broadcast_in_dim3A_57 : vector<16xi32> to vector<16x1xi32>
    %gather3A_64 = vector.shape_cast %broadcast_in_dim3A_63 : vector<16x1xi32> to vector<16xi32>
    %gather3A_65 = tpu.dynamic_gather %get3A_62[%gather3A_64] in [0] : vector<16xf32>, vector<16xi32> -> vector<16xf32>
    %get3A_66 = arith.constant 0 : index
    %get3A_67 = tpu.vector_load %arg7[%get3A_66] {strides = array<i32>} : memref<16384xf32, #tpu.memory_space<vmem>>, vector<16xf32>,
    %broadcast_in_dim3A_68 = vector.shape_cast %broadcast_in_dim3A_57 : vector<16xi32> to vector<16x1xi32>
    %gather3A_69 = vector.shape_cast %broadcast_in_dim3A_68 : vector<16x1xi32> to vector<16xi32>
    %gather3A_70 = tpu.dynamic_gather %get3A_67[%gather3A_69] in [0] : vector<16xf32>, vector<16xi32> -> vector<16xf32>
    %scan3A_71 = arith.constant 0 : i32
    %scan3A_72 = arith.constant 2048 : i32
    %scan3A_73 = arith.addi %scan3A_71, %scan3A_72 : i32
    %scan3A_74 = arith.constant 1 : i32
    %scan3A_75:5 = scf.for %scan3A_80 = %scan3A_71 to %scan3A_73 step %scan3A_74 iter_args(%scan3A_81 = %gather3A_60, %scan3A_82 = %gather3A_65, %scan3A_83 = %gather3A_70, %scan3A_84 = %broadcast_in_dim3A_57, %scan3A_85 = %broadcast_in_dim3A_57) -> (vector<16xf32>, vector<16xf32>, vector<16xf32>, vector<16xi32>, vector<16xi32>)  : i32 {
      %and3A_86 = arith.constant 15 : i32
      %and3A_87 = arith.andi %scan3A_80, %and3A_86 : i32
      %eq3A_88 = vector.broadcast %and3A_87 : i32 to vector<16xi32>
      %eq3A_89 = arith.cmpi eq, %iota3A, %eq3A_88 : vector<16xi32>
      %select_n3A_90 = arith.select %eq3A_89, %scan3A_84, %scan3A_85 : vector<16xi1>, vector<16xi32>
      %eq3A_91 = arith.constant 0 : i32
      %eq3A_92 = arith.cmpi eq, %select_n3A_30, %eq3A_91 : i32
      %and3A_93 = arith.constant 15 : i32
      %and3A_94 = arith.andi %scan3A_80, %and3A_93 : i32
      %eq3A_95 = arith.constant 15 : i32
      %eq3A_96 = arith.cmpi eq, %and3A_94, %eq3A_95 : i32
      %and3A_97 = arith.andi %eq3A_92, %eq3A_96 : i1
      %convert_element_type3A_98 = arith.extui %and3A_97 : i1 to i32
      %cond3A_99 = arith.constant 0 : i32
      %cond3A_100 = arith.cmpi ne, %convert_element_type3A_98, %cond3A_99 : i32
      scf.if %cond3A_100 {
        %sub3A_222 = arith.constant 15 : i32
        %sub3A_223 = arith.subi %scan3A_80, %sub3A_222 : i32
        %swap3A_224 = arith.index_cast %sub3A_223 : i32 to index
        %swap3A_225 = tpu.vector_load %arg9[%swap3A_224] {strides = array<i32>} : memref<2048xi32, #tpu.memory_space<vmem>>, vector<16xi32>,
        tpu.vector_store %arg9[%swap3A_224], %select_n3A_90 {strides = array<i32>} : memref<2048xi32, #tpu.memory_space<vmem>>, vector<16xi32>,
      } else {
      }
      %broadcast_in_dim3A_101 = arith.constant -1.000000e+00 : f32
      %broadcast_in_dim3A_102 = vector.broadcast %broadcast_in_dim3A_101 : f32 to vector<16xf32>
      %parallel_loop3A = arith.constant 0 : i32
      %parallel_loop3A_103 = arith.constant 256 : i32
      %parallel_loop3A_104 = arith.constant 4 : i32
      %parallel_loop3A_105:2 = scf.for %parallel_loop3A_222 = %parallel_loop3A to %parallel_loop3A_103 step %parallel_loop3A_104 iter_args(%parallel_loop3A_223 = %broadcast_in_dim3A_102, %parallel_loop3A_224 = %broadcast_in_dim3A_57) -> (vector<16xf32>, vector<16xi32>)  : i32 {
        %parallel_loop3A_225 = arith.constant 0 : i32
        %parallel_loop3A_226 = arith.addi %parallel_loop3A_222, %parallel_loop3A_225 : i32
        %parallel_loop3A_227 = arith.constant 16 : i32
        %parallel_loop3A_228 = arith.muli %parallel_loop3A_226, %parallel_loop3A_227 : i32
        %parallel_loop3A_229 = arith.addi %mul3A_32, %parallel_loop3A_228 : i32
        %parallel_loop3A_230 = arith.index_cast %parallel_loop3A_229 : i32 to index
        %parallel_loop3A_231 = tpu.vector_load %arg5[%parallel_loop3A_230] {strides = array<i32>} : memref<16384xf32, #tpu.memory_space<vmem>>, vector<16xf32>,
        %parallel_loop3A_232 = arith.subf %parallel_loop3A_231, %scan3A_81 : vector<16xf32>
        %parallel_loop3A_233 = arith.index_cast %parallel_loop3A_229 : i32 to index
        %parallel_loop3A_234 = tpu.vector_load %arg6[%parallel_loop3A_233] {strides = array<i32>} : memref<16384xf32, #tpu.memory_space<vmem>>, vector<16xf32>,
        %parallel_loop3A_235 = arith.subf %parallel_loop3A_234, %scan3A_82 : vector<16xf32>
        %parallel_loop3A_236 = arith.index_cast %parallel_loop3A_229 : i32 to index
        %parallel_loop3A_237 = tpu.vector_load %arg7[%parallel_loop3A_236] {strides = array<i32>} : memref<16384xf32, #tpu.memory_space<vmem>>, vector<16xf32>,
        %parallel_loop3A_238 = arith.subf %parallel_loop3A_237, %scan3A_83 : vector<16xf32>
        %parallel_loop3A_239 = arith.mulf %parallel_loop3A_232, %parallel_loop3A_232 : vector<16xf32>
        %parallel_loop3A_240 = arith.mulf %parallel_loop3A_235, %parallel_loop3A_235 : vector<16xf32>
        %parallel_loop3A_241 = arith.addf %parallel_loop3A_239, %parallel_loop3A_240 : vector<16xf32>
        %parallel_loop3A_242 = arith.mulf %parallel_loop3A_238, %parallel_loop3A_238 : vector<16xf32>
        %parallel_loop3A_243 = arith.addf %parallel_loop3A_241, %parallel_loop3A_242 : vector<16xf32>
        %parallel_loop3A_244 = arith.constant 0 : i32
        %parallel_loop3A_245 = arith.addi %parallel_loop3A_222, %parallel_loop3A_244 : i32
        %parallel_loop3A_246 = arith.constant 16 : i32
        %parallel_loop3A_247 = arith.muli %parallel_loop3A_245, %parallel_loop3A_246 : i32
        %parallel_loop3A_248 = arith.index_cast %parallel_loop3A_247 : i32 to index
        %parallel_loop3A_249 = tpu.vector_load %arg8[%parallel_loop3A_248] {strides = array<i32>} : memref<4096xf32, #tpu.memory_space<vmem>>, vector<16xf32>,
        %parallel_loop3A_250 = arith.minimumf %parallel_loop3A_249, %parallel_loop3A_243 : vector<16xf32>
        %parallel_loop3A_251 = arith.index_cast %parallel_loop3A_247 : i32 to index
        %parallel_loop3A_252 = tpu.vector_load %arg8[%parallel_loop3A_251] {strides = array<i32>} : memref<4096xf32, #tpu.memory_space<vmem>>, vector<16xf32>,
        tpu.vector_store %arg8[%parallel_loop3A_251], %parallel_loop3A_250 {strides = array<i32>} : memref<4096xf32, #tpu.memory_space<vmem>>, vector<16xf32>,
        %parallel_loop3A_253 = arith.constant 0 : i32
        %parallel_loop3A_254 = arith.addi %parallel_loop3A_222, %parallel_loop3A_253 : i32
        %parallel_loop3A_255 = vector.broadcast %parallel_loop3A_254 : i32 to vector<16xi32>
        %parallel_loop3A_256 = arith.constant 1 : i32
        %parallel_loop3A_257 = arith.addi %parallel_loop3A_222, %parallel_loop3A_256 : i32
        %parallel_loop3A_258 = arith.constant 16 : i32
        %parallel_loop3A_259 = arith.muli %parallel_loop3A_257, %parallel_loop3A_258 : i32
        %parallel_loop3A_260 = arith.addi %mul3A_32, %parallel_loop3A_259 : i32
        %parallel_loop3A_261 = arith.index_cast %parallel_loop3A_260 : i32 to index
        %parallel_loop3A_262 = tpu.vector_load %arg5[%parallel_loop3A_261] {strides = array<i32>} : memref<16384xf32, #tpu.memory_space<vmem>>, vector<16xf32>,
        %parallel_loop3A_263 = arith.subf %parallel_loop3A_262, %scan3A_81 : vector<16xf32>
        %parallel_loop3A_264 = arith.index_cast %parallel_loop3A_260 : i32 to index
        %parallel_loop3A_265 = tpu.vector_load %arg6[%parallel_loop3A_264] {strides = array<i32>} : memref<16384xf32, #tpu.memory_space<vmem>>, vector<16xf32>,
        %parallel_loop3A_266 = arith.subf %parallel_loop3A_265, %scan3A_82 : vector<16xf32>
        %parallel_loop3A_267 = arith.index_cast %parallel_loop3A_260 : i32 to index
        %parallel_loop3A_268 = tpu.vector_load %arg7[%parallel_loop3A_267] {strides = array<i32>} : memref<16384xf32, #tpu.memory_space<vmem>>, vector<16xf32>,
        %parallel_loop3A_269 = arith.subf %parallel_loop3A_268, %scan3A_83 : vector<16xf32>
        %parallel_loop3A_270 = arith.mulf %parallel_loop3A_263, %parallel_loop3A_263 : vector<16xf32>
        %parallel_loop3A_271 = arith.mulf %parallel_loop3A_266, %parallel_loop3A_266 : vector<16xf32>
        %parallel_loop3A_272 = arith.addf %parallel_loop3A_270, %parallel_loop3A_271 : vector<16xf32>
        %parallel_loop3A_273 = arith.mulf %parallel_loop3A_269, %parallel_loop3A_269 : vector<16xf32>
        %parallel_loop3A_274 = arith.addf %parallel_loop3A_272, %parallel_loop3A_273 : vector<16xf32>
        %parallel_loop3A_275 = arith.constant 1 : i32
        %parallel_loop3A_276 = arith.addi %parallel_loop3A_222, %parallel_loop3A_275 : i32
        %parallel_loop3A_277 = arith.constant 16 : i32
        %parallel_loop3A_278 = arith.muli %parallel_loop3A_276, %parallel_loop3A_277 : i32
        %parallel_loop3A_279 = arith.index_cast %parallel_loop3A_278 : i32 to index
        %parallel_loop3A_280 = tpu.vector_load %arg8[%parallel_loop3A_279] {strides = array<i32>} : memref<4096xf32, #tpu.memory_space<vmem>>, vector<16xf32>,
        %parallel_loop3A_281 = arith.minimumf %parallel_loop3A_280, %parallel_loop3A_274 : vector<16xf32>
        %parallel_loop3A_282 = arith.index_cast %parallel_loop3A_278 : i32 to index
        %parallel_loop3A_283 = tpu.vector_load %arg8[%parallel_loop3A_282] {strides = array<i32>} : memref<4096xf32, #tpu.memory_space<vmem>>, vector<16xf32>,
        tpu.vector_store %arg8[%parallel_loop3A_282], %parallel_loop3A_281 {strides = array<i32>} : memref<4096xf32, #tpu.memory_space<vmem>>, vector<16xf32>,
        %parallel_loop3A_284 = arith.constant 1 : i32
        %parallel_loop3A_285 = arith.addi %parallel_loop3A_222, %parallel_loop3A_284 : i32
        %parallel_loop3A_286 = vector.broadcast %parallel_loop3A_285 : i32 to vector<16xi32>
        %parallel_loop3A_287 = arith.constant 2 : i32
        %parallel_loop3A_288 = arith.addi %parallel_loop3A_222, %parallel_loop3A_287 : i32
        %parallel_loop3A_289 = arith.constant 16 : i32
        %parallel_loop3A_290 = arith.muli %parallel_loop3A_288, %parallel_loop3A_289 : i32
        %parallel_loop3A_291 = arith.addi %mul3A_32, %parallel_loop3A_290 : i32
        %parallel_loop3A_292 = arith.index_cast %parallel_loop3A_291 : i32 to index
        %parallel_loop3A_293 = tpu.vector_load %arg5[%parallel_loop3A_292] {strides = array<i32>} : memref<16384xf32, #tpu.memory_space<vmem>>, vector<16xf32>,
        %parallel_loop3A_294 = arith.subf %parallel_loop3A_293, %scan3A_81 : vector<16xf32>
        %parallel_loop3A_295 = arith.index_cast %parallel_loop3A_291 : i32 to index
        %parallel_loop3A_296 = tpu.vector_load %arg6[%parallel_loop3A_295] {strides = array<i32>} : memref<16384xf32, #tpu.memory_space<vmem>>, vector<16xf32>,
        %parallel_loop3A_297 = arith.subf %parallel_loop3A_296, %scan3A_82 : vector<16xf32>
        %parallel_loop3A_298 = arith.index_cast %parallel_loop3A_291 : i32 to index
        %parallel_loop3A_299 = tpu.vector_load %arg7[%parallel_loop3A_298] {strides = array<i32>} : memref<16384xf32, #tpu.memory_space<vmem>>, vector<16xf32>,
        %parallel_loop3A_300 = arith.subf %parallel_loop3A_299, %scan3A_83 : vector<16xf32>
        %parallel_loop3A_301 = arith.mulf %parallel_loop3A_294, %parallel_loop3A_294 : vector<16xf32>
        %parallel_loop3A_302 = arith.mulf %parallel_loop3A_297, %parallel_loop3A_297 : vector<16xf32>
        %parallel_loop3A_303 = arith.addf %parallel_loop3A_301, %parallel_loop3A_302 : vector<16xf32>
        %parallel_loop3A_304 = arith.mulf %parallel_loop3A_300, %parallel_loop3A_300 : vector<16xf32>
        %parallel_loop3A_305 = arith.addf %parallel_loop3A_303, %parallel_loop3A_304 : vector<16xf32>
        %parallel_loop3A_306 = arith.constant 2 : i32
        %parallel_loop3A_307 = arith.addi %parallel_loop3A_222, %parallel_loop3A_306 : i32
        %parallel_loop3A_308 = arith.constant 16 : i32
        %parallel_loop3A_309 = arith.muli %parallel_loop3A_307, %parallel_loop3A_308 : i32
        %parallel_loop3A_310 = arith.index_cast %parallel_loop3A_309 : i32 to index
        %parallel_loop3A_311 = tpu.vector_load %arg8[%parallel_loop3A_310] {strides = array<i32>} : memref<4096xf32, #tpu.memory_space<vmem>>, vector<16xf32>,
        %parallel_loop3A_312 = arith.minimumf %parallel_loop3A_311, %parallel_loop3A_305 : vector<16xf32>
        %parallel_loop3A_313 = arith.index_cast %parallel_loop3A_309 : i32 to index
        %parallel_loop3A_314 = tpu.vector_load %arg8[%parallel_loop3A_313] {strides = array<i32>} : memref<4096xf32, #tpu.memory_space<vmem>>, vector<16xf32>,
        tpu.vector_store %arg8[%parallel_loop3A_313], %parallel_loop3A_312 {strides = array<i32>} : memref<4096xf32, #tpu.memory_space<vmem>>, vector<16xf32>,
        %parallel_loop3A_315 = arith.constant 2 : i32
        %parallel_loop3A_316 = arith.addi %parallel_loop3A_222, %parallel_loop3A_315 : i32
        %parallel_loop3A_317 = vector.broadcast %parallel_loop3A_316 : i32 to vector<16xi32>
        %parallel_loop3A_318 = arith.constant 3 : i32
        %parallel_loop3A_319 = arith.addi %parallel_loop3A_222, %parallel_loop3A_318 : i32
        %parallel_loop3A_320 = arith.constant 16 : i32
        %parallel_loop3A_321 = arith.muli %parallel_loop3A_319, %parallel_loop3A_320 : i32
        %parallel_loop3A_322 = arith.addi %mul3A_32, %parallel_loop3A_321 : i32
        %parallel_loop3A_323 = arith.index_cast %parallel_loop3A_322 : i32 to index
        %parallel_loop3A_324 = tpu.vector_load %arg5[%parallel_loop3A_323] {strides = array<i32>} : memref<16384xf32, #tpu.memory_space<vmem>>, vector<16xf32>,
        %parallel_loop3A_325 = arith.subf %parallel_loop3A_324, %scan3A_81 : vector<16xf32>
        %parallel_loop3A_326 = arith.index_cast %parallel_loop3A_322 : i32 to index
        %parallel_loop3A_327 = tpu.vector_load %arg6[%parallel_loop3A_326] {strides = array<i32>} : memref<16384xf32, #tpu.memory_space<vmem>>, vector<16xf32>,
        %parallel_loop3A_328 = arith.subf %parallel_loop3A_327, %scan3A_82 : vector<16xf32>
        %parallel_loop3A_329 = arith.index_cast %parallel_loop3A_322 : i32 to index
        %parallel_loop3A_330 = tpu.vector_load %arg7[%parallel_loop3A_329] {strides = array<i32>} : memref<16384xf32, #tpu.memory_space<vmem>>, vector<16xf32>,
        %parallel_loop3A_331 = arith.subf %parallel_loop3A_330, %scan3A_83 : vector<16xf32>
        %parallel_loop3A_332 = arith.mulf %parallel_loop3A_325, %parallel_loop3A_325 : vector<16xf32>
        %parallel_loop3A_333 = arith.mulf %parallel_loop3A_328, %parallel_loop3A_328 : vector<16xf32>
        %parallel_loop3A_334 = arith.addf %parallel_loop3A_332, %parallel_loop3A_333 : vector<16xf32>
        %parallel_loop3A_335 = arith.mulf %parallel_loop3A_331, %parallel_loop3A_331 : vector<16xf32>
        %parallel_loop3A_336 = arith.addf %parallel_loop3A_334, %parallel_loop3A_335 : vector<16xf32>
        %parallel_loop3A_337 = arith.constant 3 : i32
        %parallel_loop3A_338 = arith.addi %parallel_loop3A_222, %parallel_loop3A_337 : i32
        %parallel_loop3A_339 = arith.constant 16 : i32
        %parallel_loop3A_340 = arith.muli %parallel_loop3A_338, %parallel_loop3A_339 : i32
        %parallel_loop3A_341 = arith.index_cast %parallel_loop3A_340 : i32 to index
        %parallel_loop3A_342 = tpu.vector_load %arg8[%parallel_loop3A_341] {strides = array<i32>} : memref<4096xf32, #tpu.memory_space<vmem>>, vector<16xf32>,
        %parallel_loop3A_343 = arith.minimumf %parallel_loop3A_342, %parallel_loop3A_336 : vector<16xf32>
        %parallel_loop3A_344 = arith.index_cast %parallel_loop3A_340 : i32 to index
        %parallel_loop3A_345 = tpu.vector_load %arg8[%parallel_loop3A_344] {strides = array<i32>} : memref<4096xf32, #tpu.memory_space<vmem>>, vector<16xf32>,
        tpu.vector_store %arg8[%parallel_loop3A_344], %parallel_loop3A_343 {strides = array<i32>} : memref<4096xf32, #tpu.memory_space<vmem>>, vector<16xf32>,
        %parallel_loop3A_346 = arith.constant 3 : i32
        %parallel_loop3A_347 = arith.addi %parallel_loop3A_222, %parallel_loop3A_346 : i32
        %parallel_loop3A_348 = vector.broadcast %parallel_loop3A_347 : i32 to vector<16xi32>
        %parallel_loop3A_349 = arith.cmpf ogt, %parallel_loop3A_281, %parallel_loop3A_250 : vector<16xf32>
        %parallel_loop3A_350 = arith.select %parallel_loop3A_349, %parallel_loop3A_281, %parallel_loop3A_250 : vector<16xi1>, vector<16xf32>
        %parallel_loop3A_351 = arith.select %parallel_loop3A_349, %parallel_loop3A_286, %parallel_loop3A_255 : vector<16xi1>, vector<16xi32>
        %parallel_loop3A_352 = arith.cmpf ogt, %parallel_loop3A_343, %parallel_loop3A_312 : vector<16xf32>
        %parallel_loop3A_353 = arith.select %parallel_loop3A_352, %parallel_loop3A_343, %parallel_loop3A_312 : vector<16xi1>, vector<16xf32>
        %parallel_loop3A_354 = arith.select %parallel_loop3A_352, %parallel_loop3A_348, %parallel_loop3A_317 : vector<16xi1>, vector<16xi32>
        %parallel_loop3A_355 = arith.cmpf ogt, %parallel_loop3A_353, %parallel_loop3A_350 : vector<16xf32>
        %parallel_loop3A_356 = arith.select %parallel_loop3A_355, %parallel_loop3A_353, %parallel_loop3A_350 : vector<16xi1>, vector<16xf32>
        %parallel_loop3A_357 = arith.select %parallel_loop3A_355, %parallel_loop3A_354, %parallel_loop3A_351 : vector<16xi1>, vector<16xi32>
        %parallel_loop3A_358 = arith.cmpf ogt, %parallel_loop3A_356, %parallel_loop3A_223 : vector<16xf32>
        %parallel_loop3A_359 = arith.select %parallel_loop3A_358, %parallel_loop3A_356, %parallel_loop3A_223 : vector<16xi1>, vector<16xf32>
        %parallel_loop3A_360 = arith.select %parallel_loop3A_358, %parallel_loop3A_357, %parallel_loop3A_224 : vector<16xi1>, vector<16xi32>
        scf.yield %parallel_loop3A_359, %parallel_loop3A_360 : vector<16xf32>, vector<16xi32>
      } {sc.loop_unroll_factor = 2 : i64, sc.parallel_access}
      %mul3A_106 = arith.constant 16 : i32
      %mul3A_107 = vector.broadcast %mul3A_106 : i32 to vector<16xi32>
      %mul3A_108 = arith.muli %parallel_loop3A_105#1, %mul3A_107 : vector<16xi32>
      %add3A_109 = arith.addi %mul3A_108, %iota3A : vector<16xi32>
      %broadcast_in_dim3A_110 = vector.broadcast %mul3A_32 : i32 to vector<16xi32>
      %add3A_111 = arith.addi %add3A_109, %broadcast_in_dim3A_110 : vector<16xi32>
      %swap3A = arith.constant 0 : index
      %swap3A_112 = tpu.vector_load %arg14[%swap3A] {strides = array<i32>} : memref<32xf32, #tpu.memory_space<vmem>>, vector<16xf32>,
      tpu.vector_store %arg14[%swap3A], %parallel_loop3A_105#0 {strides = array<i32>} : memref<32xf32, #tpu.memory_space<vmem>>, vector<16xf32>,
      %bitcast3A = vector.bitcast %add3A_111 : vector<16xi32> to vector<16xf32>
      %swap3A_113 = arith.constant 16 : index
      %swap3A_114 = tpu.vector_load %arg14[%swap3A_113] {strides = array<i32>} : memref<32xf32, #tpu.memory_space<vmem>>, vector<16xf32>,
      tpu.vector_store %arg14[%swap3A_113], %bitcast3A {strides = array<i32>} : memref<32xf32, #tpu.memory_space<vmem>>, vector<16xf32>,
      %and3A_115 = arith.constant 1 : i32
      %and3A_116 = arith.andi %scan3A_80, %and3A_115 : i32
      %mul3A_117 = arith.constant 512 : i32
      %mul3A_118 = arith.muli %and3A_116, %mul3A_117 : i32
      %mul3A_119 = arith.constant 4 : i32
      %mul3A_120 = arith.muli %select_n3A, %mul3A_119 : i32
      %add3A_121 = arith.addi %mul3A_120, %select_n3A_30 : i32
      %mul3A_122 = arith.constant 2 : i32
      %mul3A_123 = arith.muli %add3A_121, %mul3A_122 : i32
      %mul3A_124 = arith.constant 16 : i32
      %mul3A_125 = arith.muli %mul3A_123, %mul3A_124 : i32
      %add3A_126 = arith.addi %mul3A_118, %mul3A_125 : i32
      "tpu.region"() ({
        %run_scoped3A = tpu.sem_alloc : memref<!tpu.dma_semaphore, #tpu.memory_space<semaphore_mem>>
        %dma_start3A = tpu.memref_slice %arg15[%add3A_126] : memref<1024xf32, #tpu.memory_space<vmem_shared>> -> memref<32xf32, #tpu.memory_space<vmem_shared>>
        %dma_start3A_222 = tpu.memref_slice %arg15[%add3A_126] : memref<1024xf32, #tpu.memory_space<vmem_shared>> -> memref<32xf32, #tpu.memory_space<vmem_shared>>
        tpu.enqueue_dma source(%arg14 : memref<32xf32, #tpu.memory_space<vmem>>) target(%dma_start3A_222 : memref<32xf32, #tpu.memory_space<vmem_shared>>) target_semaphore(%run_scoped3A : memref<!tpu.dma_semaphore, #tpu.memory_space<semaphore_mem>>)
        %dma_wait3A = tpu.memref_slice %arg15[%add3A_126] : memref<1024xf32, #tpu.memory_space<vmem_shared>> -> memref<32xf32, #tpu.memory_space<vmem_shared>>
        %dma_wait3A_223 = tpu.memref_slice %arg15[%add3A_126] : memref<1024xf32, #tpu.memory_space<vmem_shared>> -> memref<32xf32, #tpu.memory_space<vmem_shared>>
        tpu.wait_dma2 semaphore(%run_scoped3A : memref<!tpu.dma_semaphore, #tpu.memory_space<semaphore_mem>>) src(%arg14 : memref<32xf32, #tpu.memory_space<vmem>>) dst(%dma_wait3A_223 : memref<32xf32, #tpu.memory_space<vmem_shared>>)
        tpu.yield
      }) : () -> ()
      %barrier3A = arith.constant 0 : index
      tpu.barrier barrier_id(%barrier3A)
      %mul3A_127 = arith.constant 4 : i32
      %mul3A_128 = arith.muli %select_n3A, %mul3A_127 : i32
      %mul3A_129 = arith.constant 2 : i32
      %mul3A_130 = arith.muli %mul3A_128, %mul3A_129 : i32
      %mul3A_131 = arith.constant 16 : i32
      %mul3A_132 = arith.muli %mul3A_130, %mul3A_131 : i32
      %add3A_133 = arith.addi %mul3A_118, %mul3A_132 : i32
      "tpu.region"() ({
        %run_scoped3A = tpu.sem_alloc : memref<!tpu.dma_semaphore, #tpu.memory_space<semaphore_mem>>
        %dma_start3A = tpu.memref_slice %arg15[%add3A_133] : memref<1024xf32, #tpu.memory_space<vmem_shared>> -> memref<128xf32, #tpu.memory_space<vmem_shared>>
        %dma_start3A_222 = tpu.memref_slice %arg15[%add3A_133] : memref<1024xf32, #tpu.memory_space<vmem_shared>> -> memref<128xf32, #tpu.memory_space<vmem_shared>>
        tpu.enqueue_dma source(%dma_start3A_222 : memref<128xf32, #tpu.memory_space<vmem_shared>>) target(%arg13 : memref<128xf32, #tpu.memory_space<vmem>>) target_semaphore(%run_scoped3A : memref<!tpu.dma_semaphore, #tpu.memory_space<semaphore_mem>>)
        %dma_wait3A = tpu.memref_slice %arg15[%add3A_133] : memref<1024xf32, #tpu.memory_space<vmem_shared>> -> memref<128xf32, #tpu.memory_space<vmem_shared>>
        %dma_wait3A_223 = tpu.memref_slice %arg15[%add3A_133] : memref<1024xf32, #tpu.memory_space<vmem_shared>> -> memref<128xf32, #tpu.memory_space<vmem_shared>>
        tpu.wait_dma2 semaphore(%run_scoped3A : memref<!tpu.dma_semaphore, #tpu.memory_space<semaphore_mem>>) src(%dma_wait3A_223 : memref<128xf32, #tpu.memory_space<vmem_shared>>) dst(%arg13 : memref<128xf32, #tpu.memory_space<vmem>>)
        tpu.yield
      }) : () -> ()
      %get3A_134 = arith.constant 0 : index
      %get3A_135 = tpu.vector_load %arg13[%get3A_134] {strides = array<i32>} : memref<128xf32, #tpu.memory_space<vmem>>, vector<16xf32>,
      %get3A_136 = arith.constant 16 : index
      %get3A_137 = tpu.vector_load %arg13[%get3A_136] {strides = array<i32>} : memref<128xf32, #tpu.memory_space<vmem>>, vector<16xf32>,
      %bitcast3A_138 = vector.bitcast %get3A_137 : vector<16xf32> to vector<16xi32>
      %get3A_139 = arith.constant 32 : index
      %get3A_140 = tpu.vector_load %arg13[%get3A_139] {strides = array<i32>} : memref<128xf32, #tpu.memory_space<vmem>>, vector<16xf32>,
      %get3A_141 = arith.constant 48 : index
      %get3A_142 = tpu.vector_load %arg13[%get3A_141] {strides = array<i32>} : memref<128xf32, #tpu.memory_space<vmem>>, vector<16xf32>,
      %bitcast3A_143 = vector.bitcast %get3A_142 : vector<16xf32> to vector<16xi32>
      %gt3A = arith.cmpf ogt, %get3A_140, %get3A_135 : vector<16xf32>
      %select_n3A_144 = arith.select %gt3A, %get3A_140, %get3A_135 : vector<16xi1>, vector<16xf32>
      %select_n3A_145 = arith.select %gt3A, %bitcast3A_143, %bitcast3A_138 : vector<16xi1>, vector<16xi32>
      %get3A_146 = arith.constant 64 : index
      %get3A_147 = tpu.vector_load %arg13[%get3A_146] {strides = array<i32>} : memref<128xf32, #tpu.memory_space<vmem>>, vector<16xf32>,
      %get3A_148 = arith.constant 80 : index
      %get3A_149 = tpu.vector_load %arg13[%get3A_148] {strides = array<i32>} : memref<128xf32, #tpu.memory_space<vmem>>, vector<16xf32>,
      %bitcast3A_150 = vector.bitcast %get3A_149 : vector<16xf32> to vector<16xi32>
      %gt3A_151 = arith.cmpf ogt, %get3A_147, %select_n3A_144 : vector<16xf32>
      %select_n3A_152 = arith.select %gt3A_151, %get3A_147, %select_n3A_144 : vector<16xi1>, vector<16xf32>
      %select_n3A_153 = arith.select %gt3A_151, %bitcast3A_150, %select_n3A_145 : vector<16xi1>, vector<16xi32>
      %get3A_154 = arith.constant 96 : index
      %get3A_155 = tpu.vector_load %arg13[%get3A_154] {strides = array<i32>} : memref<128xf32, #tpu.memory_space<vmem>>, vector<16xf32>,
      %get3A_156 = arith.constant 112 : index
      %get3A_157 = tpu.vector_load %arg13[%get3A_156] {strides = array<i32>} : memref<128xf32, #tpu.memory_space<vmem>>, vector<16xf32>,
      %bitcast3A_158 = vector.bitcast %get3A_157 : vector<16xf32> to vector<16xi32>
      %gt3A_159 = arith.cmpf ogt, %get3A_155, %select_n3A_152 : vector<16xf32>
      %select_n3A_160 = arith.select %gt3A_159, %get3A_155, %select_n3A_152 : vector<16xi1>, vector<16xf32>
      %select_n3A_161 = arith.select %gt3A_159, %bitcast3A_158, %select_n3A_153 : vector<16xi1>, vector<16xi32>
      %xor3A = arith.constant 1 : i32
      %xor3A_162 = vector.broadcast %xor3A : i32 to vector<16xi32>
      %xor3A_163 = arith.xori %iota3A, %xor3A_162 : vector<16xi32>
      %broadcast_in_dim3A_164 = vector.shape_cast %xor3A_163 : vector<16xi32> to vector<16x1xi32>
      %gather3A_165 = vector.shape_cast %broadcast_in_dim3A_164 : vector<16x1xi32> to vector<16xi32>
      %gather3A_166 = tpu.dynamic_gather %select_n3A_160[%gather3A_165] in [0] : vector<16xf32>, vector<16xi32> -> vector<16xf32>
      %max3A = arith.maximumf %select_n3A_160, %gather3A_166 : vector<16xf32>
      %xor3A_167 = arith.constant 2 : i32
      %xor3A_168 = vector.broadcast %xor3A_167 : i32 to vector<16xi32>
      %xor3A_169 = arith.xori %iota3A, %xor3A_168 : vector<16xi32>
      %broadcast_in_dim3A_170 = vector.shape_cast %xor3A_169 : vector<16xi32> to vector<16x1xi32>
      %gather3A_171 = vector.shape_cast %broadcast_in_dim3A_170 : vector<16x1xi32> to vector<16xi32>
      %gather3A_172 = tpu.dynamic_gather %max3A[%gather3A_171] in [0] : vector<16xf32>, vector<16xi32> -> vector<16xf32>
      %max3A_173 = arith.maximumf %max3A, %gather3A_172 : vector<16xf32>
      %xor3A_174 = arith.constant 4 : i32
      %xor3A_175 = vector.broadcast %xor3A_174 : i32 to vector<16xi32>
      %xor3A_176 = arith.xori %iota3A, %xor3A_175 : vector<16xi32>
      %broadcast_in_dim3A_177 = vector.shape_cast %xor3A_176 : vector<16xi32> to vector<16x1xi32>
      %gather3A_178 = vector.shape_cast %broadcast_in_dim3A_177 : vector<16x1xi32> to vector<16xi32>
      %gather3A_179 = tpu.dynamic_gather %max3A_173[%gather3A_178] in [0] : vector<16xf32>, vector<16xi32> -> vector<16xf32>
      %max3A_180 = arith.maximumf %max3A_173, %gather3A_179 : vector<16xf32>
      %xor3A_181 = arith.constant 8 : i32
      %xor3A_182 = vector.broadcast %xor3A_181 : i32 to vector<16xi32>
      %xor3A_183 = arith.xori %iota3A, %xor3A_182 : vector<16xi32>
      %broadcast_in_dim3A_184 = vector.shape_cast %xor3A_183 : vector<16xi32> to vector<16x1xi32>
      %gather3A_185 = vector.shape_cast %broadcast_in_dim3A_184 : vector<16x1xi32> to vector<16xi32>
      %gather3A_186 = tpu.dynamic_gather %max3A_180[%gather3A_185] in [0] : vector<16xf32>, vector<16xi32> -> vector<16xf32>
      %max3A_187 = arith.maximumf %max3A_180, %gather3A_186 : vector<16xf32>
      %eq3A_188 = arith.cmpf oeq, %select_n3A_160, %max3A_187 : vector<16xf32>
      %broadcast_in_dim3A_189 = arith.constant 16384 : i32
      %broadcast_in_dim3A_190 = vector.broadcast %broadcast_in_dim3A_189 : i32 to vector<16xi32>
      %select_n3A_191 = arith.select %eq3A_188, %select_n3A_161, %broadcast_in_dim3A_190 : vector<16xi1>, vector<16xi32>
      %xor3A_192 = arith.constant 1 : i32
      %xor3A_193 = vector.broadcast %xor3A_192 : i32 to vector<16xi32>
      %xor3A_194 = arith.xori %iota3A, %xor3A_193 : vector<16xi32>
      %broadcast_in_dim3A_195 = vector.shape_cast %xor3A_194 : vector<16xi32> to vector<16x1xi32>
      %gather3A_196 = vector.shape_cast %broadcast_in_dim3A_195 : vector<16x1xi32> to vector<16xi32>
      %gather3A_197 = tpu.dynamic_gather %select_n3A_191[%gather3A_196] in [0] : vector<16xi32>, vector<16xi32> -> vector<16xi32>
      %min3A = arith.minsi %select_n3A_191, %gather3A_197 : vector<16xi32>
      %xor3A_198 = arith.constant 2 : i32
      %xor3A_199 = vector.broadcast %xor3A_198 : i32 to vector<16xi32>
      %xor3A_200 = arith.xori %iota3A, %xor3A_199 : vector<16xi32>
      %broadcast_in_dim3A_201 = vector.shape_cast %xor3A_200 : vector<16xi32> to vector<16x1xi32>
      %gather3A_202 = vector.shape_cast %broadcast_in_dim3A_201 : vector<16x1xi32> to vector<16xi32>
      %gather3A_203 = tpu.dynamic_gather %min3A[%gather3A_202] in [0] : vector<16xi32>, vector<16xi32> -> vector<16xi32>
      %min3A_204 = arith.minsi %min3A, %gather3A_203 : vector<16xi32>
      %xor3A_205 = arith.constant 4 : i32
      %xor3A_206 = vector.broadcast %xor3A_205 : i32 to vector<16xi32>
      %xor3A_207 = arith.xori %iota3A, %xor3A_206 : vector<16xi32>
      %broadcast_in_dim3A_208 = vector.shape_cast %xor3A_207 : vector<16xi32> to vector<16x1xi32>
      %gather3A_209 = vector.shape_cast %broadcast_in_dim3A_208 : vector<16x1xi32> to vector<16xi32>
      %gather3A_210 = tpu.dynamic_gather %min3A_204[%gather3A_209] in [0] : vector<16xi32>, vector<16xi32> -> vector<16xi32>
      %min3A_211 = arith.minsi %min3A_204, %gather3A_210 : vector<16xi32>
      %xor3A_212 = arith.constant 8 : i32
      %xor3A_213 = vector.broadcast %xor3A_212 : i32 to vector<16xi32>
      %xor3A_214 = arith.xori %iota3A, %xor3A_213 : vector<16xi32>
      %broadcast_in_dim3A_215 = vector.shape_cast %xor3A_214 : vector<16xi32> to vector<16x1xi32>
      %gather3A_216 = vector.shape_cast %broadcast_in_dim3A_215 : vector<16x1xi32> to vector<16xi32>
      %gather3A_217 = tpu.dynamic_gather %min3A_211[%gather3A_216] in [0] : vector<16xi32>, vector<16xi32> -> vector<16xi32>
      %min3A_218 = arith.minsi %min3A_211, %gather3A_217 : vector<16xi32>
      %gather3A_219 = tpu.vector_load_idx %arg5[%min3A_218] : memref<16384xf32, #tpu.memory_space<vmem>>[vector<16xi32>], vector<16xf32>,
      %gather3A_220 = tpu.vector_load_idx %arg6[%min3A_218] : memref<16384xf32, #tpu.memory_space<vmem>>[vector<16xi32>], vector<16xf32>,
      %gather3A_221 = tpu.vector_load_idx %arg7[%min3A_218] : memref<16384xf32, #tpu.memory_space<vmem>>[vector<16xi32>], vector<16xf32>,
      scf.yield %gather3A_219, %gather3A_220, %gather3A_221, %min3A_218, %select_n3A_90 : vector<16xf32>, vector<16xf32>, vector<16xf32>, vector<16xi32>, vector<16xi32>
    }
    %scan3A_76 = arith.constant 2048 : i32
    %eq3A_77 = arith.constant 0 : i32
    %eq3A_78 = arith.cmpi eq, %select_n3A_30, %eq3A_77 : i32
    %convert_element_type3A = arith.extui %eq3A_78 : i1 to i32
    %cond3A = arith.constant 0 : i32
    %cond3A_79 = arith.cmpi ne, %convert_element_type3A, %cond3A : i32
    scf.if %cond3A_79 {
      %scan3A_80 = arith.constant 0 : i32
      %scan3A_81 = arith.constant 0 : i32
      %scan3A_82 = arith.constant 128 : i32
      %scan3A_83 = arith.addi %scan3A_81, %scan3A_82 : i32
      %scan3A_84 = arith.constant 4 : i32
      %scan3A_85 = scf.for %scan3A_105 = %scan3A_81 to %scan3A_83 step %scan3A_84 iter_args(%scan3A_106 = %scan3A_80) -> (i32)  : i32 {
        %mul3A_107 = arith.constant 16 : i32
        %mul3A_108 = arith.muli %scan3A_105, %mul3A_107 : i32
        %get3A_109 = arith.index_cast %mul3A_108 : i32 to index
        %get3A_110 = tpu.vector_load %arg9[%get3A_109] {strides = array<i32>} : memref<2048xi32, #tpu.memory_space<vmem>>, vector<16xi32>,
        %gather3A_111 = tpu.vector_load_idx %arg5[%get3A_110] : memref<16384xf32, #tpu.memory_space<vmem>>[vector<16xi32>], vector<16xf32>,
        %swap3A = arith.index_cast %mul3A_108 : i32 to index
        %swap3A_112 = tpu.vector_load %arg10[%swap3A] {strides = array<i32>} : memref<2048xf32, #tpu.memory_space<vmem>>, vector<16xf32>,
        tpu.vector_store %arg10[%swap3A], %gather3A_111 {strides = array<i32>} : memref<2048xf32, #tpu.memory_space<vmem>>, vector<16xf32>,
        %gather3A_113 = tpu.vector_load_idx %arg6[%get3A_110] : memref<16384xf32, #tpu.memory_space<vmem>>[vector<16xi32>], vector<16xf32>,
        %swap3A_114 = arith.index_cast %mul3A_108 : i32 to index
        %swap3A_115 = tpu.vector_load %arg11[%swap3A_114] {strides = array<i32>} : memref<2048xf32, #tpu.memory_space<vmem>>, vector<16xf32>,
        tpu.vector_store %arg11[%swap3A_114], %gather3A_113 {strides = array<i32>} : memref<2048xf32, #tpu.memory_space<vmem>>, vector<16xf32>,
        %gather3A_116 = tpu.vector_load_idx %arg7[%get3A_110] : memref<16384xf32, #tpu.memory_space<vmem>>[vector<16xi32>], vector<16xf32>,
        %swap3A_117 = arith.index_cast %mul3A_108 : i32 to index
        %swap3A_118 = tpu.vector_load %arg12[%swap3A_117] {strides = array<i32>} : memref<2048xf32, #tpu.memory_space<vmem>>, vector<16xf32>,
        tpu.vector_store %arg12[%swap3A_117], %gather3A_116 {strides = array<i32>} : memref<2048xf32, #tpu.memory_space<vmem>>, vector<16xf32>,
        %scan3A_119 = arith.constant 0 : i32
        %scan3A_120 = arith.constant 1 : i32
        %scan3A_121 = arith.addi %scan3A_105, %scan3A_120 : i32
        %mul3A_122 = arith.constant 16 : i32
        %mul3A_123 = arith.muli %scan3A_121, %mul3A_122 : i32
        %get3A_124 = arith.index_cast %mul3A_123 : i32 to index
        %get3A_125 = tpu.vector_load %arg9[%get3A_124] {strides = array<i32>} : memref<2048xi32, #tpu.memory_space<vmem>>, vector<16xi32>,
        %gather3A_126 = tpu.vector_load_idx %arg5[%get3A_125] : memref<16384xf32, #tpu.memory_space<vmem>>[vector<16xi32>], vector<16xf32>,
        %swap3A_127 = arith.index_cast %mul3A_123 : i32 to index
        %swap3A_128 = tpu.vector_load %arg10[%swap3A_127] {strides = array<i32>} : memref<2048xf32, #tpu.memory_space<vmem>>, vector<16xf32>,
        tpu.vector_store %arg10[%swap3A_127], %gather3A_126 {strides = array<i32>} : memref<2048xf32, #tpu.memory_space<vmem>>, vector<16xf32>,
        %gather3A_129 = tpu.vector_load_idx %arg6[%get3A_125] : memref<16384xf32, #tpu.memory_space<vmem>>[vector<16xi32>], vector<16xf32>,
        %swap3A_130 = arith.index_cast %mul3A_123 : i32 to index
        %swap3A_131 = tpu.vector_load %arg11[%swap3A_130] {strides = array<i32>} : memref<2048xf32, #tpu.memory_space<vmem>>, vector<16xf32>,
        tpu.vector_store %arg11[%swap3A_130], %gather3A_129 {strides = array<i32>} : memref<2048xf32, #tpu.memory_space<vmem>>, vector<16xf32>,
        %gather3A_132 = tpu.vector_load_idx %arg7[%get3A_125] : memref<16384xf32, #tpu.memory_space<vmem>>[vector<16xi32>], vector<16xf32>,
        %swap3A_133 = arith.index_cast %mul3A_123 : i32 to index
        %swap3A_134 = tpu.vector_load %arg12[%swap3A_133] {strides = array<i32>} : memref<2048xf32, #tpu.memory_space<vmem>>, vector<16xf32>,
        tpu.vector_store %arg12[%swap3A_133], %gather3A_132 {strides = array<i32>} : memref<2048xf32, #tpu.memory_space<vmem>>, vector<16xf32>,
        %scan3A_135 = arith.constant 0 : i32
        %scan3A_136 = arith.constant 2 : i32
        %scan3A_137 = arith.addi %scan3A_105, %scan3A_136 : i32
        %mul3A_138 = arith.constant 16 : i32
        %mul3A_139 = arith.muli %scan3A_137, %mul3A_138 : i32
        %get3A_140 = arith.index_cast %mul3A_139 : i32 to index
        %get3A_141 = tpu.vector_load %arg9[%get3A_140] {strides = array<i32>} : memref<2048xi32, #tpu.memory_space<vmem>>, vector<16xi32>,
        %gather3A_142 = tpu.vector_load_idx %arg5[%get3A_141] : memref<16384xf32, #tpu.memory_space<vmem>>[vector<16xi32>], vector<16xf32>,
        %swap3A_143 = arith.index_cast %mul3A_139 : i32 to index
        %swap3A_144 = tpu.vector_load %arg10[%swap3A_143] {strides = array<i32>} : memref<2048xf32, #tpu.memory_space<vmem>>, vector<16xf32>,
        tpu.vector_store %arg10[%swap3A_143], %gather3A_142 {strides = array<i32>} : memref<2048xf32, #tpu.memory_space<vmem>>, vector<16xf32>,
        %gather3A_145 = tpu.vector_load_idx %arg6[%get3A_141] : memref<16384xf32, #tpu.memory_space<vmem>>[vector<16xi32>], vector<16xf32>,
        %swap3A_146 = arith.index_cast %mul3A_139 : i32 to index
        %swap3A_147 = tpu.vector_load %arg11[%swap3A_146] {strides = array<i32>} : memref<2048xf32, #tpu.memory_space<vmem>>, vector<16xf32>,
        tpu.vector_store %arg11[%swap3A_146], %gather3A_145 {strides = array<i32>} : memref<2048xf32, #tpu.memory_space<vmem>>, vector<16xf32>,
        %gather3A_148 = tpu.vector_load_idx %arg7[%get3A_141] : memref<16384xf32, #tpu.memory_space<vmem>>[vector<16xi32>], vector<16xf32>,
        %swap3A_149 = arith.index_cast %mul3A_139 : i32 to index
        %swap3A_150 = tpu.vector_load %arg12[%swap3A_149] {strides = array<i32>} : memref<2048xf32, #tpu.memory_space<vmem>>, vector<16xf32>,
        tpu.vector_store %arg12[%swap3A_149], %gather3A_148 {strides = array<i32>} : memref<2048xf32, #tpu.memory_space<vmem>>, vector<16xf32>,
        %scan3A_151 = arith.constant 0 : i32
        %scan3A_152 = arith.constant 3 : i32
        %scan3A_153 = arith.addi %scan3A_105, %scan3A_152 : i32
        %mul3A_154 = arith.constant 16 : i32
        %mul3A_155 = arith.muli %scan3A_153, %mul3A_154 : i32
        %get3A_156 = arith.index_cast %mul3A_155 : i32 to index
        %get3A_157 = tpu.vector_load %arg9[%get3A_156] {strides = array<i32>} : memref<2048xi32, #tpu.memory_space<vmem>>, vector<16xi32>,
        %gather3A_158 = tpu.vector_load_idx %arg5[%get3A_157] : memref<16384xf32, #tpu.memory_space<vmem>>[vector<16xi32>], vector<16xf32>,
        %swap3A_159 = arith.index_cast %mul3A_155 : i32 to index
        %swap3A_160 = tpu.vector_load %arg10[%swap3A_159] {strides = array<i32>} : memref<2048xf32, #tpu.memory_space<vmem>>, vector<16xf32>,
        tpu.vector_store %arg10[%swap3A_159], %gather3A_158 {strides = array<i32>} : memref<2048xf32, #tpu.memory_space<vmem>>, vector<16xf32>,
        %gather3A_161 = tpu.vector_load_idx %arg6[%get3A_157] : memref<16384xf32, #tpu.memory_space<vmem>>[vector<16xi32>], vector<16xf32>,
        %swap3A_162 = arith.index_cast %mul3A_155 : i32 to index
        %swap3A_163 = tpu.vector_load %arg11[%swap3A_162] {strides = array<i32>} : memref<2048xf32, #tpu.memory_space<vmem>>, vector<16xf32>,
        tpu.vector_store %arg11[%swap3A_162], %gather3A_161 {strides = array<i32>} : memref<2048xf32, #tpu.memory_space<vmem>>, vector<16xf32>,
        %gather3A_164 = tpu.vector_load_idx %arg7[%get3A_157] : memref<16384xf32, #tpu.memory_space<vmem>>[vector<16xi32>], vector<16xf32>,
        %swap3A_165 = arith.index_cast %mul3A_155 : i32 to index
        %swap3A_166 = tpu.vector_load %arg12[%swap3A_165] {strides = array<i32>} : memref<2048xf32, #tpu.memory_space<vmem>>, vector<16xf32>,
        tpu.vector_store %arg12[%swap3A_165], %gather3A_164 {strides = array<i32>} : memref<2048xf32, #tpu.memory_space<vmem>>, vector<16xf32>,
        %scan3A_167 = arith.constant 0 : i32
        scf.yield %scan3A_167 : i32
      }
      %scan3A_86 = arith.constant 128 : i32
      %mul3A_87 = arith.constant 2048 : i32
      %mul3A_88 = arith.muli %add3A, %mul3A_87 : i32
      "tpu.region"() ({
        %run_scoped3A = tpu.sem_alloc : memref<!tpu.dma_semaphore, #tpu.memory_space<semaphore_mem>>
        %dma_start3A = tpu.memref_slice %arg3[%mul3A_88] : memref<16384xi32, #tpu.memory_space<hbm>> -> memref<2048xi32, #tpu.memory_space<hbm>>
        %dma_start3A_105 = tpu.memref_slice %arg3[%mul3A_88] : memref<16384xi32, #tpu.memory_space<hbm>> -> memref<2048xi32, #tpu.memory_space<hbm>>
        tpu.enqueue_dma source(%arg9 : memref<2048xi32, #tpu.memory_space<vmem>>) target(%dma_start3A_105 : memref<2048xi32, #tpu.memory_space<hbm>>) target_semaphore(%run_scoped3A : memref<!tpu.dma_semaphore, #tpu.memory_space<semaphore_mem>>)
        %dma_wait3A = tpu.memref_slice %arg3[%mul3A_88] : memref<16384xi32, #tpu.memory_space<hbm>> -> memref<2048xi32, #tpu.memory_space<hbm>>
        %dma_wait3A_106 = tpu.memref_slice %arg3[%mul3A_88] : memref<16384xi32, #tpu.memory_space<hbm>> -> memref<2048xi32, #tpu.memory_space<hbm>>
        tpu.wait_dma2 semaphore(%run_scoped3A : memref<!tpu.dma_semaphore, #tpu.memory_space<semaphore_mem>>) src(%arg9 : memref<2048xi32, #tpu.memory_space<vmem>>) dst(%dma_wait3A_106 : memref<2048xi32, #tpu.memory_space<hbm>>)
        tpu.yield
      }) : () -> ()
      %mul3A_89 = arith.constant 3 : i32
      %mul3A_90 = arith.muli %add3A, %mul3A_89 : i32
      %mul3A_91 = arith.constant 2048 : i32
      %mul3A_92 = arith.muli %mul3A_90, %mul3A_91 : i32
      "tpu.region"() ({
        %run_scoped3A = tpu.sem_alloc : memref<!tpu.dma_semaphore, #tpu.memory_space<semaphore_mem>>
        %dma_start3A = tpu.memref_slice %arg4[%mul3A_92] : memref<49152xf32, #tpu.memory_space<hbm>> -> memref<2048xf32, #tpu.memory_space<hbm>>
        %dma_start3A_105 = tpu.memref_slice %arg4[%mul3A_92] : memref<49152xf32, #tpu.memory_space<hbm>> -> memref<2048xf32, #tpu.memory_space<hbm>>
        tpu.enqueue_dma source(%arg10 : memref<2048xf32, #tpu.memory_space<vmem>>) target(%dma_start3A_105 : memref<2048xf32, #tpu.memory_space<hbm>>) target_semaphore(%run_scoped3A : memref<!tpu.dma_semaphore, #tpu.memory_space<semaphore_mem>>)
        %dma_wait3A = tpu.memref_slice %arg4[%mul3A_92] : memref<49152xf32, #tpu.memory_space<hbm>> -> memref<2048xf32, #tpu.memory_space<hbm>>
        %dma_wait3A_106 = tpu.memref_slice %arg4[%mul3A_92] : memref<49152xf32, #tpu.memory_space<hbm>> -> memref<2048xf32, #tpu.memory_space<hbm>>
        tpu.wait_dma2 semaphore(%run_scoped3A : memref<!tpu.dma_semaphore, #tpu.memory_space<semaphore_mem>>) src(%arg10 : memref<2048xf32, #tpu.memory_space<vmem>>) dst(%dma_wait3A_106 : memref<2048xf32, #tpu.memory_space<hbm>>)
        tpu.yield
      }) : () -> ()
      %mul3A_93 = arith.constant 3 : i32
      %mul3A_94 = arith.muli %add3A, %mul3A_93 : i32
      %mul3A_95 = arith.constant 2048 : i32
      %mul3A_96 = arith.muli %mul3A_94, %mul3A_95 : i32
      %add3A_97 = arith.constant 2048 : i32
      %add3A_98 = arith.addi %mul3A_96, %add3A_97 : i32
      "tpu.region"() ({
        %run_scoped3A = tpu.sem_alloc : memref<!tpu.dma_semaphore, #tpu.memory_space<semaphore_mem>>
        %dma_start3A = tpu.memref_slice %arg4[%add3A_98] : memref<49152xf32, #tpu.memory_space<hbm>> -> memref<2048xf32, #tpu.memory_space<hbm>>
        %dma_start3A_105 = tpu.memref_slice %arg4[%add3A_98] : memref<49152xf32, #tpu.memory_space<hbm>> -> memref<2048xf32, #tpu.memory_space<hbm>>
        tpu.enqueue_dma source(%arg11 : memref<2048xf32, #tpu.memory_space<vmem>>) target(%dma_start3A_105 : memref<2048xf32, #tpu.memory_space<hbm>>) target_semaphore(%run_scoped3A : memref<!tpu.dma_semaphore, #tpu.memory_space<semaphore_mem>>)
        %dma_wait3A = tpu.memref_slice %arg4[%add3A_98] : memref<49152xf32, #tpu.memory_space<hbm>> -> memref<2048xf32, #tpu.memory_space<hbm>>
        %dma_wait3A_106 = tpu.memref_slice %arg4[%add3A_98] : memref<49152xf32, #tpu.memory_space<hbm>> -> memref<2048xf32, #tpu.memory_space<hbm>>
        tpu.wait_dma2 semaphore(%run_scoped3A : memref<!tpu.dma_semaphore, #tpu.memory_space<semaphore_mem>>) src(%arg11 : memref<2048xf32, #tpu.memory_space<vmem>>) dst(%dma_wait3A_106 : memref<2048xf32, #tpu.memory_space<hbm>>)
        tpu.yield
      }) : () -> ()
      %mul3A_99 = arith.constant 3 : i32
      %mul3A_100 = arith.muli %add3A, %mul3A_99 : i32
      %mul3A_101 = arith.constant 2048 : i32
      %mul3A_102 = arith.muli %mul3A_100, %mul3A_101 : i32
      %add3A_103 = arith.constant 4096 : i32
      %add3A_104 = arith.addi %mul3A_102, %add3A_103 : i32
      "tpu.region"() ({
        %run_scoped3A = tpu.sem_alloc : memref<!tpu.dma_semaphore, #tpu.memory_space<semaphore_mem>>
        %dma_start3A = tpu.memref_slice %arg4[%add3A_104] : memref<49152xf32, #tpu.memory_space<hbm>> -> memref<2048xf32, #tpu.memory_space<hbm>>
        %dma_start3A_105 = tpu.memref_slice %arg4[%add3A_104] : memref<49152xf32, #tpu.memory_space<hbm>> -> memref<2048xf32, #tpu.memory_space<hbm>>
        tpu.enqueue_dma source(%arg12 : memref<2048xf32, #tpu.memory_space<vmem>>) target(%dma_start3A_105 : memref<2048xf32, #tpu.memory_space<hbm>>) target_semaphore(%run_scoped3A : memref<!tpu.dma_semaphore, #tpu.memory_space<semaphore_mem>>)
        %dma_wait3A = tpu.memref_slice %arg4[%add3A_104] : memref<49152xf32, #tpu.memory_space<hbm>> -> memref<2048xf32, #tpu.memory_space<hbm>>
        %dma_wait3A_106 = tpu.memref_slice %arg4[%add3A_104] : memref<49152xf32, #tpu.memory_space<hbm>> -> memref<2048xf32, #tpu.memory_space<hbm>>
        tpu.wait_dma2 semaphore(%run_scoped3A : memref<!tpu.dma_semaphore, #tpu.memory_space<semaphore_mem>>) src(%arg12 : memref<2048xf32, #tpu.memory_space<vmem>>) dst(%dma_wait3A_106 : memref<2048xf32, #tpu.memory_space<hbm>>)
        tpu.yield
      }) : () -> ()
    } else {
    }
    return
  }
}

</mosaic_0001>

<sc_bundles>
// kernel: kernel.3.cloned.1.call-start
scs
__scs_entry_jumppad:
0x0: {  	(pc) =	sbr.rel $0x88, $3  }
0x1: {  	(tag) =	ssettag $0x0;
	lr =	simm.s32 $0x1  }
0x2: {  	[smem:$0x3FA0] =	sst lr;
	_ =	strace $0xD0000000  }
0x3: {  	_ = 	snop  }
0x4: {  	_ = 	snop  }
0x5: {  	_ = 	snop  }
0x6: {  	_ = 	snop  }
0x7: {  	_ = 	snop  }
__scs_overlays_trampoline_lowered:
0x8: {  	[smem:$0x3FAF] =	sst s0  }
0x9: {  	[smem:$0x3FB0] =	sst s1  }
0xa: {  	[smem:$0x3FB1] =	sst s2  }
0xb: {  	[smem:$0x3FB2] =	sst s3  }
0xc: {  	[smem:$0x3FB3] =	sst s4  }
0xd: {  	[smem:$0x3FB4] =	sst s5  }
0xe: {  	[smem:$0x3FB5] =	sst s6  }
0xf: {  	[smem:$0x3FB6] =	sst s7  }
0x10: {  	[smem:$0x3FB7] =	sst s8  }
0x11: {  	[smem:$0x3FB8] =	sst s9;
	s0 =	simm.s32 @!p0 $0x0  }
0x12: {  	s1 =	sld [smem:$0x3F9E];
	s0 =	simm.s32 @p0 $0x1  }
0x13: {  	[smem:$0x3FB9] =	sst s0;
	s0 =	simm.s32 @!p1 $0x0  }
0x14: {  	s2 =	sld [smem:$0x3F9D];
	s0 =	simm.s32 @p1 $0x1  }
0x15: {  	[smem:$0x3FBA] =	sst s0;
	s0 =	simm.s32 @!p2 $0x0  }
0x16: {  	s3 =	sld [smem:$0x3FDB];
	s0 =	simm.s32 @p2 $0x1  }
0x17: {  	s4 =	simm.s32 $0x1BF5;
	[smem:$0x3FBC] =	sst s0  }
0x18: {  	s0 =	sld [smem:$0x3F9F];
	_ =	swait.ge [sflag:s4], $0x0  }
0x19: {  	s7 =	sld [smem:$0x3FA0]  }
0x1a: {  	s8 =	sadd.s32 $0xFFFFE003, lr  }
0x1b: {  	s9 =	sadd.s32 $0xFFFFFEF7, lr;
	s5 =	simm.s32 $0xFFFFFFFF;
	p2 =	slt.u32 s8, $0xFFFFF086  }
0x1c: {  	p1 =	slt.u32 s9, $0xF7A;
	s5 =	simm.s32 @!p2 $0x0  }
0x1d: {  	s5 =	simm.s32 @p1 $0x1;
	p0 =	seq.s32 s7, s2  }
0x1e: {  	s7 =	smul.u32 @!p0 $0xF7A, s2;
	p2 =	seq.s32 @!p0 s5, $0x0  }
0x1f: {  	s9 =	smul.u32 $0xF7A, s1;
	s8 =	simm.s32 @!p0 $0x1BF5;
	p2 =	por !p2, p0  }
0x20: {  	[sflag:s8] =	ssyncset.s32 @!p0 $0xFFFFF086;
	s6 =	sadd.s32 @!p0 s3, s7;
	s7 =	simm.s32 @!p0 $0x108  }
0x21: {  	s3 =	sadd.s32 s3, s9;
	s6 =	sadd.s32 @!p0 $0x88, s6;
	s7 =	simm.s32 @p2 $0x1082  }
0x22: {  	[simem:s7], [sflag:s8] =	dma.local @!p0 [hbm:s6], $0xF7A  }
0x23: {  	s9 =	sor.u32 $0xD0000000, s2;
	s6 =	simm.s32 $0x108;
	_ =	swait.ge @!p0 [sflag:s8], $0x0  }
0x24: {  	s3 =	sadd.s32 $0x88, s3;
	s6 =	simm.s32 @!p1 $0x1082;
	[sflag:s4] =	ssyncset.s32 $0xFFFFF086  }
0x25: {  	[simem:s6], [sflag:s4] =	dma.local [hbm:s3], $0xF7A  }
0x26: {  	[smem:$0x3FA0] =	sst s1;
	(tag) =	ssettag s2;
	_ =	strace s9  }
0x27: {  	s1 =	sld [smem:$0x3FB0]  }
0x28: {  	s2 =	sld [smem:$0x3FB1]  }
0x29: {  	s4 =	sld [smem:$0x3FB3]  }
0x2a: {  	p0 =	seq.s32 s5, $0x0;
	s5 =	sld [smem:$0x3FB4]  }
0x2b: {  	s6 =	sld [smem:$0x3FB5]  }
0x2c: {  	s7 =	sld [smem:$0x3FB6]  }
0x2d: {  	s3 =	simm.s32 $0x108;
	s8 =	sld [smem:$0x3FB7]  }
0x2e: {  	s3 =	simm.s32 @!p0 $0x1082;
	s9 =	sld [smem:$0x3FB8]  }
0x2f: {  	lr =	sadd.s32 s0, s3;
	s0 =	sld [smem:$0x3FAF]  }
0x30: {  	s3 =	sld [smem:$0x3FB2]  }
0x31: {  	[smem:$0x3FBB] =	sst s10  }
0x32: {  	s10 =	sld [smem:$0x3FB9];
	_ =	sdelay $0x3  }
0x33: {  	p0 =	seq.s32 s10, $0x1;
	s10 =	sld [smem:$0x3FBB];
	_ =	sdelay $0x3  }
0x34: {  	[smem:$0x3FBB] =	sst s10  }
0x35: {  	s10 =	sld [smem:$0x3FBA];
	_ =	sdelay $0x3  }
0x36: {  	p1 =	seq.s32 s10, $0x1;
	s10 =	sld [smem:$0x3FBB];
	_ =	sdelay $0x3  }
0x37: {  	[smem:$0x3FBB] =	sst s10  }
0x38: {  	s10 =	sld [smem:$0x3FBC]  }
0x39: {  	_ = 	snop;
	(pc) =	sbr.ind lr, $3  }
0x3a: {  	_ = 	snop  }
0x3b: {  	_ = 	snop  }
0x3c: {  	p2 =	seq.s32 s10, $0x1;
	s10 =	sld [smem:$0x3FBB]  }
0x3d: {  	_ =	shalt  }
0x3e: {  	_ =	shalt  }
0x3f: {  	_ =	shalt  }
0x40: {  	_ =	shalt  }
0x41: {  	_ =	shalt  }
0x42: {  	_ =	shalt  }
0x43: {  	_ =	shalt  }
0x44: {  	_ =	shalt  }
0x45: {  	_ =	shalt  }
0x46: {  	_ =	shalt  }
0x47: {  	_ =	shalt  }
0x48: {  	_ =	shalt  }
0x49: {  	_ =	shalt  }
0x4a: {  	_ =	shalt  }
0x4b: {  	_ =	shalt  }
0x4c: {  	_ =	shalt  }
0x4d: {  	_ =	shalt  }
0x4e: {  	_ =	shalt  }
0x4f: {  	_ =	shalt  }
0x50: {  	_ =	shalt  }
0x51: {  	_ =	shalt  }
0x52: {  	_ =	shalt  }
0x53: {  	_ =	shalt  }
0x54: {  	_ =	shalt  }
0x55: {  	_ =	shalt  }
0x56: {  	_ =	shalt  }
0x57: {  	_ =	shalt  }
0x58: {  	_ =	shalt  }
0x59: {  	_ =	shalt  }
0x5a: {  	_ =	shalt  }
0x5b: {  	_ =	shalt  }
0x5c: {  	_ =	shalt  }
0x5d: {  	_ =	shalt  }
0x5e: {  	_ =	shalt  }
0x5f: {  	_ =	shalt  }
0x60: {  	_ =	shalt  }
0x61: {  	_ =	shalt  }
0x62: {  	_ =	shalt  }
0x63: {  	_ =	shalt  }
0x64: {  	_ =	shalt  }
0x65: {  	_ =	shalt  }
0x66: {  	_ =	shalt  }
0x67: {  	_ =	shalt  }
0x68: {  	_ =	shalt  }
0x69: {  	_ =	shalt  }
0x6a: {  	_ =	shalt  }
0x6b: {  	_ =	shalt  }
0x6c: {  	_ =	shalt  }
0x6d: {  	_ =	shalt  }
0x6e: {  	_ =	shalt  }
0x6f: {  	_ =	shalt  }
0x70: {  	_ =	shalt  }
0x71: {  	_ =	shalt  }
0x72: {  	_ =	shalt  }
0x73: {  	_ =	shalt  }
0x74: {  	_ =	shalt  }
0x75: {  	_ =	shalt  }
0x76: {  	_ =	shalt  }
0x77: {  	_ =	shalt  }
0x78: {  	_ =	shalt  }
0x79: {  	_ =	shalt  }
0x7a: {  	_ =	shalt  }
0x7b: {  	_ =	shalt  }
0x7c: {  	_ =	shalt  }
0x7d: {  	_ =	shalt  }
0x7e: {  	_ =	shalt  }
0x7f: {  	_ =	shalt  }
0x80: {  	_ =	shalt  }
0x81: {  	_ =	shalt  }
0x82: {  	_ =	shalt  }
0x83: {  	_ =	shalt  }
0x84: {  	_ =	shalt  }
0x85: {  	_ =	shalt  }
0x86: {  	_ =	shalt  }
0x87: {  	_ =	shalt  }
.Lfunc_end0:
.L_simem_size_0:
called_computation_lowered:
.L_overlay_start_0:
0x88: {  	s2 =	sld [smem:$0x3FD9]  }
0x89: {  	s3 =	sld [smem:$0x3FFE];
	_ =	sdelay $0x1  }
0x8a: {  	s1 =	srdreg.scid  }
0x8b: {  	s0 =	sand.u32 $0x1, s1  }
0x8c: {  	s14 =	sshll.u32 s0, $0xA;
	s2 =	sadd.s32 s3, s2  }
0x8d: {  	s2 =	sadd.s32 s2, s14  }
0x8e: {  	[smem:$0x3FC7] =	sst s2  }
0x8f: {  	_ = 	snop  }
0x90: {  	s2 =	sld [smem:$0x3FD0];
	_ =	sdelay $0x2  }
0x91: {  	s15 =	simm.s32 $0xA;
	s4 =	simm.s32 $0x10  }
0x92: {  	[smem:s4], [sflag:s15] =	dma.local [hbm:s2], $0x1  }
0x93: {  	_ =	swait.eq [sflag:s15], $0x1  }
0x94: {  	[sflag:s15] =	ssyncset.done $0x0  }
0x95: {  	[sflag:s15] =	ssyncadd.s32 $0xFFFFFFFF  }
0x96: {  	s16 =	sld [smem:$0x11];
	(tm) =	ssettm $0x1  }
0x97: {  	s17 =	sld [smem:$0x3FFB];
	_ =	sdelay $0x3  }
0x98: {  	_ =	strace s17  }
0x99: {  	s3 =	sld [smem:$0x3FFC];
	_ =	sdelay $0x3  }
0x9a: {  	_ =	strace s3  }
0x9b: {  	s3 =	sld [smem:$0x3FFD];
	_ =	sdelay $0x3  }
0x9c: {  	_ =	strace s3  }
0x9d: {  	_ =	strace $0x8FFFFFFF  }
0x9e: {  	s18 =	sld [smem:$0x3FDB];
	_ =	sdelay $0x1  }
0x9f: {  	s19 =	simm.s32 $_scs_section_size  }
0xa0: {  	s5 =	simm.s32 $_size__tile_overlayer_lowered;
	s6 =	simm.s32 $_tile_overlayer_lowered  }
0xa1: {  	s22 =	simm.s32 $0x1BFF;
	s21 =	sshll.u32 s6, $0x1;
	s3 =	sadd.s32 s19, s18  }
0xa2: {  	s7 =	simm.s32 $0x0;
	s20 =	sshll.u32 s5, $0x1;
	s5 =	sadd.s32 s21, s3  }
0xa3: {  	[timem:s7], [sflag:s22] =	dma.local [hbm:s5], s20  }
0xa4: {  	_ =	swait.ge [sflag:s22], s20  }
0xa5: {  	s4 =	ssub.s32 $0x0, s20;
	[sflag:s22] =	ssyncset.done $0x0  }
0xa6: {  	[sflag:s22] =	ssyncadd.s32 s4;
	_ =	sdelay $0x1  }
0xa7: {  	s23 =	simm.s32 $0x1B8B  }
0xa8: {  	_ =	swait.ge [sflag:s23], $0x1  }
0xa9: {  	[sflag:s23] =	ssyncset.done $0x0  }
0xaa: {  	s25 =	simm.s32 $0x1B8E;
	s24 =	sld [smem:$0x3FFE];
	[sflag:s23] =	ssyncadd.s32 $0xFFFFFFFF  }
0xab: {  	s26 =	simm.s32 $execute0_lowered;
	[smem:$0x3FD2] =	sst s25  }
0xac: {  	s5 =	sshll.u32 s26, $0x1;
	_ =	strace $0x80000046;
	[dreg:$0x1] =	wrdreg $0xFFFFFFFF  }
0xad: {  	s28 =	simm.s32 $_size_execute0_lowered;
	s3 =	sadd.s32 s3, s5;
	[dreg:$0x0] =	wrdreg $0x0  }
0xae: {  	s5 =	sshll.u32 s28, $0x1;
	[dreg:$0x2] =	wrdreg s3  }
0xaf: {  	[dreg:$0x3] =	wrdreg s5  }
0xb0: {  	[dreg:$0x4] =	wrdreg $0xC0  }
0xb1: {  	_ =	task [dreg:s7], $0x5FFFF  }
0xb2: {  	[dreg:$0x1] =	wrdreg $0xFFFFFFFF  }
0xb3: {  	[dreg:$0x0] =	wrdreg $0x60  }
0xb4: {  	[dreg:$0x2] =	wrdreg s24  }
0xb5: {  	[dreg:$0x3] =	wrdreg s16  }
0xb6: {  	[dreg:$0x4] =	wrdreg $0xF1000  }
0xb7: {  	[dreg:$0x5] =	wrdreg $0x9  }
0xb8: {  	_ =	task.clear_ibuf [dreg:s7], $0x6FFFF;
	_ =	strace $0x90000046  }
0xb9: {  	s29 =	simm.s32 $0x9;
	_ =	strace $0x80000048  }
0xba: {  	_ =	swait.ge [sflag:s29], $0x1  }
0xbb: {  	[sflag:s29] =	ssyncadd.s32 $0xFFFFFFFF  }
0xbc: {  	_ =	strace $0x90000048  }
0xbd: {  	_ =	sfence  }
0xbe: {  	s30 =	sld [smem:$0x0];
	_ =	sdelay $0x2  }
0xbf: {  	s31 =	sshll.u32 s1, $0xD;
	s1 =	sshrl.u32 s1, $0x2  }
0xc0: {  	s3 =	sand.u32 $0x4000, s31;
	s1 =	sadd.s32 s1, s30  }
0xc1: {  	s0 =	sor.u32 s3, s0;
	s1 =	sshll.u32 s1, $0x11  }
0xc2: {  	s0 =	sor.u32 s1, s0  }
0xc3: {  	s0 =	sadd.s32 $0x8F2B, s0  }
0xc4: {  	[sflag:s0] =	ssyncadd.remote.s32 $0x1  }
0xc5: {  	_ =	sfence.sel $0xFFFF  }
0xc6: {  	[dreg:$0x0] =	wrdreg $0xFFFFFFFF;
	(pc) =	sbr.abs _section_cstart, $3  }
0xc7: {  	[dreg:$0x1] =	wrdreg $0xFFFFFFFF  }
0xc8: {  	_ =	task.clear_ibuf [dreg:s7], $0x2FFFF;
	_ =	strace $0x9FFFFFFF  }
0xc9: {  	(tm) =	ssettm $0x7FFFFFFF  }
tec
execute0_lowered:
.L_overlay_start_1:
0x0: {  	(tag) =	ssettag $0x1  }
0x1: {  	s1 =	rddreg [dreg:$0x0]  }
0x2: {  	s0 =	srdreg.scid;
	s3 =	rddreg [dreg:$0x1]  }
0x3: {  	s9 =	stileid.u32;
	s5 =	rddreg [dreg:$0x2]  }
0x4: {  	s15 =	simm.s32 $0x1;
	s16 =	simm.s32 $0x4000;
	s17 =	simm.s32 $0x8000  }
0x5: {  	s19 =	simm.s32 $0xF080;
	s20 =	simm.s32 $0xF000;
	s0 =	sand.u32 $0x1, s0  }
0x6: {  	s4 =	sshrl.u32 s9, $0x2;
	s9 =	sand.u32 $0x3, s9;
	s2 =	sshll.u32 s0, $0x2  }
0x7: {  	v0 =	vimm.s32 $0xEFCDAB89;
	v1 =	vimm.s32 $0x67452301;
	s0 =	ssub.s32 $0x2, s0;
	s24 =	sshll.u32 s9, $0xC;
	s30 =	sshll.u32 s9, $0x7  }
0x8: {  	v0 =	vunpack.c.l.s4.s8 v0;
	v1 =	vunpack.c.l.s4.s8 v1;
	p0 =	sne.s32 s9, $0x0;
	s6 =	sor.u32 s4, s2;
	s2 =	simm.s32 $0x0  }
0x9: {  	v2 =	vimm.s32 $0xDCFE98BA;
	s23 =	sshrl.u32 s0, $0x1;
	s4 =	sshll.u32 s4, $0x7;
	s7 =	smul.u32 $0xC000, s6  }
0xa: {  	v4 =	vimm.s32 $0x32107654;
	v0 =	vunpack.c.0.s8.s32 v0;
	v1 =	vunpack.c.0.s8.s32 v1;
	s12 =	sor.u32 $0x40, s24;
	[smem:$0x7FF] =	sst s2;
	s10 =	smul.u32 $0x1800, s6  }
0xb: {  	v5 =	vimm.s32 $0xFEDCBA98;
	v2 =	vunpack.c.l.s4.s8 v2;
	s13 =	sor.u32 $0x4040, s24;
	s0 =	ssub.s32 s0, s23;
	_ =	strace $0x80000047  }
0xc: {  	v5 =	vunpack.c.l.s4.s8 v5;
	v3 =	vcombine.low v1, v0;
	v0 =	vimm.s32 $0x54761032;
	s0 =	smax.u32 s0, $0x1;
	s7 =	sshrl.u32 s7, $0x3;
	s29 =	sshrl.u32 s10, $0x3  }
0xd: {  	v1 =	vunpack.c.0.s8.s32 v2;
	v2 =	vimm.s32 $0xBA98FEDC;
	v0 =	vunpack.c.l.s4.s8 v0;
	[dreg:$0xb] =	wrdreg s0;
	s7 =	sadd.s32 s7, s1;
	s31 =	sadd.s32 s3, s29  }
0xe: {  	v4 =	vunpack.c.l.s4.s8 v4;
	s8 =	sshll.u32 s6, $0x8;
	v2 =	vunpack.c.l.s4.s8 v2;
	s25 =	sadd.s32 $0x800, s7;
	[dreg:$0x8] =	wrdreg s31  }
0xf: {  	v5 =	vunpack.c.0.s8.s32 v5;
	s1 =	sadd.s32 s8, s1;
	s26 =	sadd.s32 $0x1000, s7;
	v6 =	vunpack.c.0.s8.s32 v0;
	v0 =	vimm.s32 $0x76543210;
	[dreg:$0x4] =	wrdreg s25  }
.Ltmp0:
0x10: {  	v4 =	vunpack.c.0.s8.s32 v4;
	s28 =	sadd.s32 $0x1800, s7;
	v2 =	vunpack.c.0.s8.s32 v2;
	[dreg:$0x5] =	wrdreg s26;
	v7 =	vunpack.c.l.s4.s8 v0;
	(pc) =	sbr.rel .LBB2_1-.Ltmp0, $4  }
0x11: {  	s14 =	sor.u32 $0x8040, s24;
	v9 =	vand.u32 $0xF, v5;
	s1 =	sadd.s32 $0xC800, s1;
	[dreg:$0x6] =	wrdreg s28;
	v0 =	vlaneseq.u32  }
0x12: {  	s18 =	sshrl.u32 s30, $0x2;
	s3 =	sadd.s32 $0x100, s31;
	[dreg:$0x7] =	wrdreg s1;
	v6 =	vcombine.low v6, v1;
	v8 =	vcombine.low v4, v2;
	v7 =	vunpack.c.0.s8.s32 v7  }
0x13: {  	s6 =	sadd.s32 s4, s5;
	v3 =	vand.u32 $0xF, v3;
	[dreg:$0x9] =	wrdreg s3;
	s1 =	sadd.s32 $0x200, s31;
	v1 =	vimm.f32 $1.000000000e+10;
	v2 =	vor.u32 s24, v0  }
0x14: {  	s26 =	simm.s32 $0x0;
	[dreg:$0xa] =	wrdreg s1;
	s1 =	simm.s32 $0x0;
	v4 =	vand.u32 $0xF, v6;
	v5 =	vand.u32 $0xF, v8;
	v6 =	vcombine.low v9, v7  }
.LBB2_11:
0x15: {  	s1 =	sadd.s32 $0x1, s1;
	s0 =	rddreg [dreg:$0xb]  }
0x16: {  	p1 =	sne.s32 s1, s0  }
.Ltmp1:
0x17: {  	_ = 	snop;
	(pc) =	sbr.rel @!p1 .LBB2_12-.Ltmp1, $1  }
0x18: {  	_ =	sdelay $0x3  }
.LBB2_1:
0x19: {  	[dreg:$0xc] =	wrdreg s1  }
0x1a: {  	s0 =	rddreg [dreg:$0x4]  }
0x1b: {  	[tilespmem:s2], [sflag:$0x1] =	stream.linear.gather [hbm4b:s0+s2], $0x4000, $0x38;
	[tilespmem:$0xF140] =	vst v63  }
0x1c: {  	_ =	swait.ge [sflag:s15], $0x4000  }
0x1d: {  	[sflag:s15] =	ssyncset.done $0x0  }
0x1e: {  	s30 =	rddreg [dreg:$0x5];
	[sflag:s15] =	ssyncadd.s32 $0xFFFFC000  }
0x1f: {  	[tilespmem:s16], [sflag:$0x1] =	stream.linear.gather [hbm4b:s30+s2], $0x4000, $0x38;
	[tilespmem:$0xF140] =	vst v63  }
0x20: {  	_ =	swait.ge [sflag:s15], $0x4000  }
0x21: {  	[sflag:s15] =	ssyncset.done $0x0  }
0x22: {  	s31 =	rddreg [dreg:$0x6];
	[sflag:s15] =	ssyncadd.s32 $0xFFFFC000  }
0x23: {  	[tilespmem:s17], [sflag:$0x1] =	stream.linear.gather [hbm4b:s31+s2], $0x4000, $0x38;
	[tilespmem:$0xF140] =	vst v63  }
0x24: {  	_ =	swait.ge [sflag:s15], $0x4000  }
0x25: {  	[sflag:s15] =	ssyncset.done $0x0  }
0x26: {  	s0 =	simm.s32 $0xC040;
	[sflag:s15] =	ssyncadd.s32 $0xFFFFC000  }
0x27: {  	[tilespmem:s0+$0xFFFFFFC0] =	vst v1  }
0x28: {  	[tilespmem:s0+$0x30] =	vst v1  }
0x29: {  	[tilespmem:s0+$0x20] =	vst v1  }
0x2a: {  	[tilespmem:s0+$0x10] =	vst v1  }
0x2b: {  	[tilespmem:s0+$0x0] =	vst v1  }
0x2c: {  	[tilespmem:s0+$0xFFFFFFF0] =	vst v1  }
0x2d: {  	s1 =	simm.s32 $0x0;
	[tilespmem:s0+$0xFFFFFFE0] =	vst v1  }
.LBB2_2:
0x2e: {  	s1 =	sadd.s32 $0x8, s1;
	[tilespmem:s0+$0xFFFFFFD0] =	vst v1;
	s0 =	sadd.s32 $0x80, s0  }
0x2f: {  	[tilespmem:s0+$0xFFFFFFC0] =	vst v1;
	p1 =	slt.u32 s1, $0xF8  }
0x30: {  	[tilespmem:s0+$0x30] =	vst v1  }
.Ltmp2:
0x31: {  	[tilespmem:s0+$0x20] =	vst v1;
	(pc) =	sbr.rel @p1 .LBB2_2-.Ltmp2, $4  }
0x32: {  	[tilespmem:s0+$0x10] =	vst v1  }
0x33: {  	[tilespmem:s0+$0x0] =	vst v1  }
0x34: {  	[tilespmem:s0+$0xFFFFFFF0] =	vst v1  }
0x35: {  	[tilespmem:s0+$0xFFFFFFE0] =	vst v1  }
0x36: {  	[tilespmem:s0+$0xFFFFFFD0] =	vst v1  }
0x37: {  	v8 =	vld [tilespmem:$0x0]  }
0x38: {  	v10 =	vld [tilespmem:$0x4000]  }
0x39: {  	v11 =	vld [tilespmem:$0x8000];
	_ =	sdelay $0x2  }
0x3a: {  	v7 =	vimm.s32 $0x0  }
0x3b: {  	v10 =	vperm.xlane v10, v7  }
0x3c: {  	s28 =	simm.s32 $0x0;
	v9 =	vperm.xlane v8, v7;
	v8 =	vperm.xlane v11, v7;
	v11 =	vimm.s32 $0x0  }
.LBB2_4:
0x3d: {  	s0 =	sand.u32 $0xF, s28  }
0x3e: {  	v12 =	vmov s0  }
0x3f: {  	p1 =	sne.s32 @!p0 s0, $0xF;
	vm0 =	veq.s32 v12, v0  }
0x40: {  	p1 =	por p1, p0;
	v7 =	vsel vm0, v11, v7  }
0x41: {  	[tilespmem:s28+$0xCFF1] =	vst @!p1 v7  }
0x42: {  	v11 =	vld [tilespmem:s13+$0x0]  }
0x43: {  	v12 =	vld [tilespmem:s12+$0x0];
	_ =	sdelay $0x1  }
0x44: {  	v13 =	vld [tilespmem:s14+$0x0];
	_ =	sdelay $0x1  }
0x45: {  	v14 =	vld [tilespmem:s13+$0xFFFFFFC0]  }
0x46: {  	v15 =	vld [tilespmem:s12+$0xFFFFFFC0];
	v11 =	vsub.f32 v11, v10;
	v12 =	vsub.f32 v12, v9;
	_ =	sdelay $0x1  }
0x47: {  	s8 =	simm.s32 $0xC040;
	v16 =	vld [tilespmem:s14+$0xFFFFFFC0];
	v13 =	vsub.f32 v13, v8;
	v12 =	vmul.f32 v12, v12;
	v11 =	vmul.f32 v11, v11  }
0x48: {  	v17 =	vld [tilespmem:s8+$0x0]  }
0x49: {  	v11 =	vadd.f32 v11, v12;
	v12 =	vmul.f32 v13, v13  }
0x4a: {  	v13 =	vsub.f32 v14, v10;
	v14 =	vsub.f32 v15, v9  }
0x4b: {  	v11 =	vadd.f32 v12, v11  }
0x4c: {  	s30 =	sadd.s32 $0x80, s14;
	v12 =	vmul.f32 v13, v13;
	v13 =	vsub.f32 v16, v8;
	v14 =	vmul.f32 v14, v14  }
0x4d: {  	v19 =	vld [tilespmem:s30+$0xFFFFFFC0];
	v16 =	vmin.f32 v17, v11  }
0x4e: {  	v15 =	vld [tilespmem:s8+$0xFFFFFFC0];
	v11 =	vadd.f32 v12, v14;
	v12 =	vmul.f32 v13, v13;
	[tilespmem:s8+$0x0] =	vst v16  }
0x4f: {  	v13 =	vld [tilespmem:s13+$0x10]  }
0x50: {  	s1 =	sadd.s32 $0x80, s12;
	v11 =	vadd.f32 v12, v11;
	v12 =	vld [tilespmem:s12+$0x10]  }
0x51: {  	v17 =	vld [tilespmem:s1+$0xFFFFFFC0]  }
0x52: {  	s31 =	sadd.s32 $0x80, s13;
	v14 =	vld [tilespmem:s14+$0x10]  }
0x53: {  	v15 =	vmin.f32 v15, v11;
	v11 =	vld [tilespmem:s31+$0xFFFFFFC0]  }
0x54: {  	v22 =	vld [tilespmem:s8+$0x10];
	[tilespmem:s8+$0xFFFFFFC0] =	vst v15  }
0x55: {  	v18 =	vld [tilespmem:s12+$0xFFFFFFD0];
	v13 =	vsub.f32 v13, v10;
	v12 =	vsub.f32 v12, v9  }
0x56: {  	v20 =	vld [tilespmem:s13+$0xFFFFFFD0]  }
0x57: {  	v23 =	vld [tilespmem:s31+$0x0];
	v14 =	vsub.f32 v14, v8;
	v13 =	vmul.f32 v13, v13;
	v12 =	vmul.f32 v12, v12  }
0x58: {  	v17 =	vsub.f32 v17, v9;
	v21 =	vld [tilespmem:s14+$0xFFFFFFD0];
	v11 =	vsub.f32 v11, v10  }
0x59: {  	s29 =	simm.s32 $0xC0C0;
	v24 =	vld [tilespmem:s8+$0xFFFFFFE0];
	v19 =	vsub.f32 v19, v8;
	v12 =	vadd.f32 v13, v12;
	v13 =	vmul.f32 v14, v14  }
0x5a: {  	v25 =	vld [tilespmem:s29+$0x0];
	v17 =	vmul.f32 v17, v17;
	v18 =	vsub.f32 v18, v9;
	v11 =	vmul.f32 v11, v11  }
0x5b: {  	v20 =	vsub.f32 v20, v10;
	v12 =	vadd.f32 v13, v12;
	v13 =	vld [tilespmem:s1+$0x0]  }
0x5c: {  	v14 =	vld [tilespmem:s29+$0xFFFFFFC0];
	v18 =	vmul.f32 v18, v18;
	v11 =	vadd.f32 v11, v17;
	v17 =	vmul.f32 v19, v19  }
0x5d: {  	v19 =	vmul.f32 v20, v20;
	v20 =	vsub.f32 v21, v8;
	v21 =	vmin.f32 v22, v12;
	v12 =	vld [tilespmem:s30+$0x0]  }
0x5e: {  	v22 =	vld [tilespmem:s8+$0xFFFFFFD0]  }
0x5f: {  	v31 =	vld [tilespmem:s8+$0x30];
	v11 =	vadd.f32 v17, v11;
	v17 =	vadd.f32 v19, v18;
	v18 =	vmul.f32 v20, v20;
	[tilespmem:s8+$0x10] =	vst v21  }
0x60: {  	v20 =	vsub.f32 v23, v10;
	v19 =	vld [tilespmem:s13+$0x20];
	v13 =	vsub.f32 v13, v9  }
0x61: {  	v11 =	vmin.f32 v14, v11;
	v14 =	vld [tilespmem:s12+$0x20];
	v17 =	vadd.f32 v18, v17  }
0x62: {  	v18 =	vld [tilespmem:s14+$0x20];
	v20 =	vmul.f32 v20, v20;
	[tilespmem:s29+$0xFFFFFFC0] =	vst v11;
	v12 =	vsub.f32 v12, v8;
	v13 =	vmul.f32 v13, v13  }
0x63: {  	v23 =	vld [tilespmem:s1+$0xFFFFFFD0];
	v17 =	vmin.f32 v22, v17  }
0x64: {  	v26 =	vld [tilespmem:s31+$0xFFFFFFD0];
	[tilespmem:s8+$0xFFFFFFD0] =	vst v17;
	v13 =	vadd.f32 v20, v13;
	v12 =	vmul.f32 v12, v12  }
0x65: {  	v22 =	vld [tilespmem:s12+$0xFFFFFFE0]  }
0x66: {  	v12 =	vadd.f32 v12, v13;
	v13 =	vsub.f32 v19, v10;
	v19 =	vld [tilespmem:s13+$0xFFFFFFE0]  }
0x67: {  	v14 =	vsub.f32 v14, v9;
	v27 =	vld [tilespmem:s14+$0xFFFFFFE0]  }
0x68: {  	vm0 =	vgt.f32 v21, v16;
	v20 =	vld [tilespmem:s30+$0xFFFFFFD0];
	v18 =	vsub.f32 v18, v8;
	v12 =	vmin.f32 v25, v12  }
0x69: {  	vm1 =	vgt.f32 v17, v15;
	v14 =	vmul.f32 v14, v14;
	v23 =	vsub.f32 v23, v9;
	v25 =	vld [tilespmem:s8+$0x20];
	[tilespmem:s29+$0x0] =	vst v12  }
0x6a: {  	v18 =	vmul.f32 v18, v18;
	v26 =	vsub.f32 v26, v10;
	v13 =	vmul.f32 v13, v13;
	v28 =	vld [tilespmem:s31+$0x10]  }
0x6b: {  	v23 =	vmul.f32 v23, v23;
	v22 =	vsub.f32 v22, v9;
	v30 =	vld [tilespmem:s1+$0x10];
	v19 =	vsub.f32 v19, v10  }
0x6c: {  	v32 =	vld [tilespmem:s29+$0x10];
	v26 =	vmul.f32 v26, v26;
	v27 =	vsub.f32 v27, v8;
	v14 =	vadd.f32 v13, v14  }
0x6d: {  	s7 =	simm.s32 $0xC140;
	v20 =	vsub.f32 v20, v8;
	v29 =	vld [tilespmem:s30+$0x10];
	v22 =	vmul.f32 v22, v22;
	v19 =	vmul.f32 v19, v19  }
0x6e: {  	s0 =	sadd.s32 $0x80, s30;
	v37 =	vld [tilespmem:s7+$0xFFFFFFC0];
	v34 =	vsel vm1, v17, v15;
	v23 =	vadd.f32 v26, v23;
	v14 =	vadd.f32 v18, v14  }
0x6f: {  	s23 =	sadd.s32 $0x80, s31;
	v17 =	vld [tilespmem:s0+$0xFFFFFFC0];
	v20 =	vmul.f32 v20, v20;
	v19 =	vadd.f32 v19, v22;
	v22 =	vmul.f32 v27, v27  }
0x70: {  	s24 =	sadd.s32 $0x80, s1;
	v25 =	vmin.f32 v25, v14;
	v14 =	vld [tilespmem:s23+$0xFFFFFFC0];
	v26 =	vsub.f32 v28, v10;
	v28 =	vsub.f32 v30, v9  }
0x71: {  	v21 =	vsel vm0, v21, v16;
	v20 =	vadd.f32 v20, v23;
	[tilespmem:s8+$0x20] =	vst v25;
	v27 =	vld [tilespmem:s24+$0xFFFFFFC0];
	v19 =	vadd.f32 v22, v19  }
0x72: {  	v16 =	vsub.f32 v29, v8;
	v22 =	vld [tilespmem:s14+$0x30];
	v23 =	vmul.f32 v26, v26;
	v15 =	vmul.f32 v28, v28  }
0x73: {  	s10 =	simm.s32 $0x6;
	v26 =	vld [tilespmem:s12+$0x30];
	v28 =	vmin.f32 v24, v19  }
0x74: {  	v33 =	vmov s10;
	v16 =	vmul.f32 v16, v16;
	v19 =	vld [tilespmem:s13+$0x30];
	v23 =	vadd.f32 v23, v15;
	[tilespmem:s8+$0xFFFFFFE0] =	vst v28  }
0x75: {  	v17 =	vsub.f32 v17, v8;
	v13 =	vimm.f32 $-1.000000000e+00;
	v14 =	vsub.f32 v14, v10;
	v29 =	vld [tilespmem:s12+$0xFFFFFFF0]  }
0x76: {  	s3 =	simm.s32 $0x2;
	s11 =	simm.s32 $0x1;
	v24 =	vmov s26;
	v27 =	vsub.f32 v27, v9;
	v35 =	vld [tilespmem:s13+$0xFFFFFFF0];
	v16 =	vadd.f32 v16, v23  }
0x77: {  	v53 =	vld [tilespmem:s29+$0xFFFFFFD0];
	v17 =	vmul.f32 v17, v17;
	v30 =	vmov s3;
	v15 =	vsel vm1, s11, v24  }
0x78: {  	s4 =	simm.s32 $0x4;
	v14 =	vmul.f32 v14, v14;
	v36 =	vld [tilespmem:s14+$0xFFFFFFF0];
	v24 =	vmul.f32 v27, v27;
	v16 =	vmin.f32 v32, v16  }
0x79: {  	s21 =	simm.s32 $0x5;
	v23 =	vld [tilespmem:s23+$0x0];
	v27 =	vmov s4;
	v26 =	vsub.f32 v26, v9;
	v22 =	vsub.f32 v22, v8;
	[tilespmem:s29+$0x10] =	vst v16  }
0x7a: {  	v19 =	vsub.f32 v19, v10;
	v14 =	vadd.f32 v14, v24;
	v24 =	vsel vm0, s21, v27;
	v56 =	vld [tilespmem:s30+$0x20]  }
0x7b: {  	v26 =	vmul.f32 v26, v26;
	v27 =	vsub.f32 v29, v9;
	v29 =	vld [tilespmem:s24+$0x0];
	v52 =	vsub.f32 v35, v10  }
0x7c: {  	v22 =	vmul.f32 v22, v22;
	v19 =	vmul.f32 v19, v19;
	v14 =	vadd.f32 v17, v14;
	v17 =	vld [tilespmem:s0+$0x0]  }
0x7d: {  	v18 =	vld [tilespmem:s8+$0xFFFFFFF0];
	v36 =	vsub.f32 v36, v8;
	v27 =	vmul.f32 v27, v27;
	v32 =	vmul.f32 v52, v52  }
0x7e: {  	v38 =	vld [tilespmem:s31+$0x20];
	v23 =	vsub.f32 v23, v10;
	v14 =	vmin.f32 v37, v14;
	v19 =	vadd.f32 v19, v26  }
0x7f: {  	v54 =	vld [tilespmem:s1+$0x20];
	[tilespmem:s7+$0xFFFFFFC0] =	vst v14;
	v26 =	vadd.f32 v32, v27;
	v27 =	vmul.f32 v36, v36;
	v36 =	vsub.f32 v56, v8  }
0x80: {  	vm0 =	vgt.f32 v16, v12;
	v55 =	vld [tilespmem:s24+$0xFFFFFFD0];
	v19 =	vadd.f32 v22, v19;
	v29 =	vsub.f32 v29, v9  }
0x81: {  	v22 =	vld [tilespmem:s23+$0xFFFFFFD0];
	v17 =	vsub.f32 v17, v8;
	v26 =	vadd.f32 v27, v26;
	v61 =	vmul.f32 v36, v36  }
0x82: {  	v27 =	vmul.f32 v29, v29;
	v29 =	vmul.f32 v23, v23;
	v23 =	vmin.f32 v53, v20  }
0x83: {  	v58 =	vld [tilespmem:s0+$0xFFFFFFD0];
	v20 =	vmin.f32 v31, v19;
	v31 =	vsub.f32 v38, v10;
	v17 =	vmul.f32 v17, v17  }
0x84: {  	v19 =	vld [tilespmem:s7+$0x0];
	v57 =	vmin.f32 v18, v26;
	vm1 =	vgt.f32 v20, v25;
	[tilespmem:s29+$0xFFFFFFD0] =	vst v23;
	v26 =	vadd.f32 v29, v27  }
0x85: {  	s22 =	simm.s32 $0x7;
	v27 =	vsub.f32 v54, v9;
	v29 =	vsub.f32 v55, v9;
	v31 =	vmul.f32 v31, v31;
	v59 =	vld [tilespmem:s31+$0xFFFFFFE0]  }
0x86: {  	v39 =	vld [tilespmem:s29+$0x20];
	vm2 =	vgt.f32 v57, v28;
	v33 =	vsel vm1, s22, v33;
	v22 =	vsub.f32 v22, v10  }
0x87: {  	v60 =	vsel vm1, v20, v25;
	v17 =	vadd.f32 v17, v26;
	v26 =	vld [tilespmem:s1+$0xFFFFFFE0];
	v27 =	vmul.f32 v27, v27  }
0x88: {  	v18 =	vld [tilespmem:s29+$0xFFFFFFE0];
	v62 =	vsub.f32 v58, v8;
	vm1 =	vgt.f32 v60, v21;
	v22 =	vmul.f32 v22, v22  }
0x89: {  	[tilespmem:s8+$0x30] =	vst v20;
	v40 =	vld [tilespmem:s30+$0xFFFFFFE0];
	v19 =	vmin.f32 v19, v17;
	v17 =	vmul.f32 v29, v29;
	v27 =	vadd.f32 v31, v27  }
0x8a: {  	v20 =	vld [tilespmem:s29+$0xFFFFFFF0];
	v25 =	vsel vm1, v33, v24;
	v29 =	vsel vm1, v60, v21;
	[tilespmem:s7+$0x0] =	vst v19;
	v63 =	vsub.f32 v59, v10  }
0x8b: {  	s25 =	simm.s32 $0x3;
	v21 =	vadd.f32 v22, v17;
	v32 =	vld [tilespmem:s23+$0x10];
	v22 =	vadd.f32 v61, v27;
	v27 =	vsel vm2, v57, v28  }
0x8c: {  	v24 =	vld [tilespmem:s7+$0xFFFFFFE0];
	v31 =	vsel vm2, s25, v30;
	v17 =	vsub.f32 v26, v9;
	vm1 =	vgt.f32 v27, v34  }
0x8d: {  	s9 =	simm.s32 $0x8;
	v30 =	vld [tilespmem:s0+$0x10];
	v26 =	vmul.f32 v62, v62;
	v35 =	vmul.f32 v63, v63;
	v27 =	vsel vm1, v27, v34  }
0x8e: {  	s10 =	smov.u32 s23;
	s3 =	simm.s32 $0x18;
	s4 =	sadd.s32 $0x80, s0;
	[tilespmem:s8+$0xFFFFFFF0] =	vst v57;
	v28 =	vld [tilespmem:s24+$0x10];
	v34 =	vsub.f32 v40, v8;
	v33 =	vmul.f32 v17, v17;
	v17 =	vmin.f32 v39, v22  }
0x8f: {  	s21 =	simm.s32 $0xC140;
	s22 =	simm.s32 $0x10;
	s8 =	smov.u32 s24;
	v26 =	vadd.f32 v26, v21;
	v21 =	vld [tilespmem:s29+$0x30];
	vm2 =	vgt.f32 v27, v13;
	v22 =	vimm.s32 $0x0;
	[tilespmem:s29+$0x20] =	vst v17  }
.LBB2_5:
0x90: {  	p1 =	slt.u32 s3, $0xF8;
	v32 =	vsub.f32 v32, v10;
	v36 =	vld [tilespmem:s7+$0x10];
	s23 =	sadd.s32 $0x80, s23;
	s24 =	sadd.s32 $0x80, s24;
	v15 =	vsel vm1, v31, v15;
	v13 =	vsel vm2, v27, v13  }
0x91: {  	s5 =	smov.u32 s3;
	s3 =	sadd.s32 $0x8, s3;
	v31 =	vld [tilespmem:s23+$0xFFFFFFC0];
	v27 =	vadd.f32 v35, v33;
	v33 =	vmul.f32 v34, v34;
	v15 =	vsel vm2, v15, v22  }
0x92: {  	vm1 =	vgt.f32 v23, v11;
	vm2 =	vgt.f32 v29, v13;
	v34 =	vld [tilespmem:s24+$0xFFFFFFC0];
	v32 =	vmul.f32 v32, v32  }
0x93: {  	v28 =	vsub.f32 v28, v9;
	v13 =	vsel vm2, v29, v13;
	v33 =	vadd.f32 v33, v27;
	v35 =	vld [tilespmem:s30+$0x30]  }
0x94: {  	v29 =	vsel vm0, v16, v12;
	v22 =	vsel vm2, v25, v15;
	v27 =	vsel vm1, v23, v11;
	v11 =	vmovc v14;
	v23 =	vld [tilespmem:s1+$0x30]  }
0x95: {  	s11 =	sadd.s32 $0x2, s9;
	v12 =	vmovc v19;
	v15 =	vmul.f32 v28, v28;
	v14 =	vld [tilespmem:s4+$0xFFFFFFC0];
	v28 =	vmin.f32 v18, v33;
	v18 =	vmov v24  }
0x96: {  	v16 =	vsub.f32 v30, v8;
	v30 =	vmov s11;
	s11 =	sadd.s32 $0x6, s9;
	[tilespmem:s29+$0xFFFFFFE0] =	vst v28;
	v19 =	vld [tilespmem:s31+$0x30]  }
0x97: {  	v25 =	vmov s9;
	v33 =	vmov s11;
	v24 =	vsub.f32 v31, v10;
	v31 =	vld [tilespmem:s1+$0xFFFFFFF0];
	s1 =	smov.u32 s8;
	s8 =	smov.u32 s24  }
0x98: {  	s25 =	sadd.s32 $0x4, s9;
	v16 =	vmul.f32 v16, v16;
	s11 =	sadd.s32 $0x1, s9;
	v32 =	vadd.f32 v32, v15;
	v34 =	vsub.f32 v34, v9;
	v37 =	vld [tilespmem:s31+$0xFFFFFFF0];
	s31 =	smov.u32 s10  }
0x99: {  	s7 =	sadd.s32 $0x80, s7;
	v15 =	vsel vm1, s11, v25;
	v25 =	vmov s25;
	v24 =	vmul.f32 v24, v24;
	s10 =	smov.u32 s23;
	v38 =	vld [tilespmem:s30+$0xFFFFFFF0];
	s30 =	smov.u32 s0  }
0x9a: {  	s11 =	sadd.s32 $0x5, s9;
	v34 =	vmul.f32 v34, v34;
	v23 =	vsub.f32 v23, v9;
	s0 =	smov.u32 s4;
	v14 =	vsub.f32 v14, v8;
	v39 =	vld [tilespmem:s7+$0xFFFFFFC0]  }
0x9b: {  	v25 =	vsel vm0, s11, v25;
	v16 =	vadd.f32 v16, v32;
	v40 =	vld [tilespmem:s21+$0xFFFFFFD0];
	v19 =	vsub.f32 v19, v10  }
0x9c: {  	v24 =	vadd.f32 v24, v34;
	v14 =	vmul.f32 v14, v14;
	v32 =	vld [tilespmem:s23+$0x0];
	v31 =	vsub.f32 v31, v9  }
0x9d: {  	v16 =	vmin.f32 v36, v16;
	v34 =	vld [tilespmem:s24+$0x0];
	v36 =	vsub.f32 v37, v10;
	v19 =	vmul.f32 v19, v19  }
0x9e: {  	v35 =	vsub.f32 v35, v8;
	v23 =	vmul.f32 v23, v23;
	v14 =	vadd.f32 v14, v24;
	v24 =	vld [tilespmem:s4+$0x0];
	[tilespmem:s21+$0x10] =	vst v16  }
0x9f: {  	v38 =	vsub.f32 v38, v8;
	v31 =	vmul.f32 v31, v31;
	v37 =	vld [tilespmem:s31+$0x20];
	v36 =	vmul.f32 v36, v36  }
0xa0: {  	v19 =	vadd.f32 v19, v23;
	v23 =	vmul.f32 v35, v35;
	v14 =	vmin.f32 v39, v14;
	v39 =	vld [tilespmem:s1+$0x20]  }
0xa1: {  	[tilespmem:s7+$0xFFFFFFC0] =	vst v14;
	v32 =	vsub.f32 v32, v10;
	v35 =	vld [tilespmem:s30+$0x20];
	v31 =	vadd.f32 v36, v31;
	v36 =	vmul.f32 v38, v38  }
0xa2: {  	vm0 =	vgt.f32 v16, v12;
	v19 =	vadd.f32 v23, v19;
	v38 =	vld [tilespmem:s24+$0xFFFFFFD0];
	v34 =	vsub.f32 v34, v9  }
0xa3: {  	v23 =	vmin.f32 v40, v26;
	v41 =	vld [tilespmem:s23+$0xFFFFFFD0];
	v24 =	vsub.f32 v24, v8;
	v26 =	vadd.f32 v36, v31  }
0xa4: {  	v32 =	vmul.f32 v32, v32;
	v19 =	vmin.f32 v21, v19;
	v31 =	vld [tilespmem:s4+$0xFFFFFFD0];
	v34 =	vmul.f32 v34, v34;
	[tilespmem:s21+$0xFFFFFFD0] =	vst v23  }
0xa5: {  	v36 =	vsub.f32 v37, v10;
	vm2 =	vgt.f32 v19, v17;
	v21 =	vld [tilespmem:s7+$0x0];
	v20 =	vmin.f32 v20, v26;
	[tilespmem:s29+$0x30] =	vst v19  }
0xa6: {  	v24 =	vmul.f32 v24, v24;
	v26 =	vadd.f32 v32, v34;
	v34 =	vld [tilespmem:s1+$0xFFFFFFE0];
	v32 =	vsub.f32 v39, v9;
	[tilespmem:s29+$0xFFFFFFF0] =	vst v20;
	s29 =	smov.u32 s21;
	s21 =	smov.u32 s7  }
0xa7: {  	s11 =	sadd.s32 $0x7, s9;
	v36 =	vmul.f32 v36, v36;
	vm1 =	vgt.f32 v20, v28;
	v37 =	vsub.f32 v38, v9;
	v38 =	vld [tilespmem:s31+$0xFFFFFFE0]  }
0xa8: {  	v33 =	vsel vm2, s11, v33;
	v26 =	vadd.f32 v24, v26;
	v39 =	vld [tilespmem:s30+$0xFFFFFFE0];
	v32 =	vmul.f32 v32, v32  }
0xa9: {  	v17 =	vsel vm2, v19, v17;
	v35 =	vsub.f32 v35, v8;
	v40 =	vsub.f32 v41, v10;
	v24 =	vld [tilespmem:s7+$0xFFFFFFE0]  }
0xaa: {  	vm2 =	vgt.f32 v17, v29;
	v19 =	vmin.f32 v21, v26;
	v21 =	vadd.f32 v36, v32  }
0xab: {  	v25 =	vsel vm2, v33, v25;
	v26 =	vmul.f32 v37, v37;
	v36 =	vmul.f32 v40, v40;
	[tilespmem:s7+$0x0] =	vst v19;
	v37 =	vld [tilespmem:s29+$0x20]  }
0xac: {  	s11 =	sadd.s32 $0x3, s9;
	s9 =	smov.u32 s22;
	s22 =	smov.u32 s5;
	v29 =	vsel vm2, v17, v29;
	v35 =	vmul.f32 v35, v35;
	v33 =	vsub.f32 v31, v8;
	v32 =	vld [tilespmem:s23+$0x10]  }
.Ltmp3:
0xad: {  	v31 =	vsel vm1, s11, v30;
	v17 =	vadd.f32 v36, v26;
	v26 =	vsub.f32 v34, v9;
	(pc) =	sbr.rel @p1 .LBB2_5-.Ltmp3, $4  }
0xae: {  	v34 =	vmul.f32 v33, v33;
	v21 =	vadd.f32 v35, v21;
	v35 =	vsel vm1, v20, v28;
	v30 =	vld [tilespmem:s4+$0x10]  }
0xaf: {  	v36 =	vsub.f32 v38, v10;
	vm1 =	vgt.f32 v35, v27;
	v33 =	vmul.f32 v26, v26;
	v28 =	vld [tilespmem:s24+$0x10]  }
0xb0: {  	v26 =	vadd.f32 v34, v17;
	v27 =	vsel vm1, v35, v27;
	v20 =	vld [tilespmem:s29+$0xFFFFFFF0];
	v17 =	vmin.f32 v37, v21  }
0xb1: {  	s4 =	sadd.s32 $0x80, s4;
	v34 =	vsub.f32 v39, v8;
	v35 =	vmul.f32 v36, v36;
	vm2 =	vgt.f32 v27, v13;
	[tilespmem:s29+$0x20] =	vst v17;
	v21 =	vld [tilespmem:s29+$0x30]  }
0xb2: {  	_ = 	snop  }
0xb3: {  	v33 =	vadd.f32 v35, v33;
	v34 =	vmul.f32 v34, v34;
	_ =	sdelay $0x1  }
0xb4: {  	v45 =	vld [tilespmem:s21+$0xFFFFFFD0];
	v43 =	vadd.f32 v34, v33  }
0xb5: {  	v36 =	vld [tilespmem:s7+$0x10];
	v32 =	vsub.f32 v32, v10;
	v28 =	vsub.f32 v28, v9  }
0xb6: {  	v44 =	vld [tilespmem:s30+$0x30];
	v30 =	vsub.f32 v30, v8  }
0xb7: {  	v46 =	vld [tilespmem:s1+$0x30];
	v18 =	vmin.f32 v18, v43;
	v32 =	vmul.f32 v32, v32;
	v28 =	vmul.f32 v28, v28  }
0xb8: {  	v47 =	vld [tilespmem:s31+$0x30];
	[tilespmem:s29+$0xFFFFFFE0] =	vst v18  }
0xb9: {  	v26 =	vmin.f32 v45, v26;
	v30 =	vmul.f32 v30, v30;
	v48 =	vld [tilespmem:s1+$0xFFFFFFF0];
	v28 =	vadd.f32 v32, v28  }
0xba: {  	[tilespmem:s21+$0xFFFFFFD0] =	vst v26;
	v50 =	vld [tilespmem:s31+$0xFFFFFFF0]  }
0xbb: {  	v51 =	vld [tilespmem:s8+$0xFFFFFFE0];
	v28 =	vadd.f32 v30, v28  }
0xbc: {  	v52 =	vld [tilespmem:s10+$0xFFFFFFE0]  }
0xbd: {  	v15 =	vsel vm1, v31, v15;
	v13 =	vsel vm2, v27, v13;
	v58 =	vld [tilespmem:s0+$0xFFFFFFE0];
	v28 =	vmin.f32 v36, v28  }
0xbe: {  	vm9 =	vgt.f32 v23, v11;
	v12 =	vsel vm0, v16, v12;
	v38 =	vmov s9;
	v59 =	vld [tilespmem:s30+$0xFFFFFFF0];
	[tilespmem:s21+$0x10] =	vst v28  }
0xbf: {  	v15 =	vsel vm2, v15, v22;
	vm10 =	vgt.f32 v29, v13;
	v53 =	vsub.f32 v46, v9;
	v49 =	vld [tilespmem:s10+$0x20]  }
0xc0: {  	v11 =	vsel vm9, v23, v11;
	v13 =	vsel vm10, v29, v13;
	v33 =	vsub.f32 v44, v8;
	v37 =	vld [tilespmem:s8+$0x20]  }
0xc1: {  	v54 =	vsub.f32 v47, v10;
	v29 =	vmul.f32 v53, v53;
	v35 =	vsub.f32 v48, v9  }
0xc2: {  	v62 =	vmul.f32 v33, v33;
	v27 =	vsub.f32 v51, v9;
	v22 =	vsub.f32 v52, v10;
	v55 =	vld [tilespmem:s0+$0x20]  }
0xc3: {  	v30 =	vmul.f32 v54, v54;
	v34 =	vsub.f32 v50, v10;
	v36 =	vsub.f32 v58, v8  }
0xc4: {  	v16 =	vsub.f32 v59, v8;
	v27 =	vmul.f32 v27, v27;
	v22 =	vmul.f32 v22, v22  }
0xc5: {  	v35 =	vmul.f32 v35, v35;
	v56 =	vsub.f32 v49, v10;
	v57 =	vsub.f32 v37, v9  }
0xc6: {  	v34 =	vmul.f32 v34, v34;
	v61 =	vmul.f32 v36, v36;
	v22 =	vadd.f32 v22, v27  }
0xc7: {  	v31 =	vsub.f32 v55, v8;
	v23 =	vmul.f32 v56, v56;
	v32 =	vmul.f32 v57, v57  }
0xc8: {  	v60 =	vld [tilespmem:s21+$0x20];
	v29 =	vadd.f32 v30, v29;
	v16 =	vmul.f32 v16, v16;
	v22 =	vadd.f32 v61, v22  }
0xc9: {  	s25 =	sadd.s32 $0x2, s9;
	v34 =	vadd.f32 v34, v35;
	v31 =	vmul.f32 v31, v31;
	v23 =	vadd.f32 v23, v32  }
0xca: {  	v63 =	vmov s25;
	v36 =	vadd.f32 v62, v29;
	v22 =	vmin.f32 v24, v22  }
0xcb: {  	s3 =	sadd.s32 $0x4, s9;
	vm4 =	vgt.f32 v26, v14;
	v16 =	vadd.f32 v16, v34;
	[tilespmem:s21+$0xFFFFFFE0] =	vst v22;
	v23 =	vadd.f32 v31, v23  }
0xcc: {  	v42 =	vmov s3;
	v15 =	vsel vm10, v25, v15;
	v53 =	vsel vm4, v26, v14;
	v41 =	vld [tilespmem:s8+$0xFFFFFFF0]  }
0xcd: {  	s30 =	sadd.s32 $0x6, s9;
	v21 =	vmin.f32 v21, v36;
	v16 =	vmin.f32 v20, v16;
	v43 =	vld [tilespmem:s10+$0xFFFFFFF0];
	v23 =	vmin.f32 v60, v23  }
0xce: {  	v39 =	vmov s30;
	vm12 =	vgt.f32 v21, v17;
	vm11 =	vgt.f32 v16, v18;
	v45 =	vld [tilespmem:s0+$0xFFFFFFF0];
	[tilespmem:s21+$0x20] =	vst v23  }
0xcf: {  	s7 =	sadd.s32 $0x3, s9;
	s31 =	sadd.s32 $0x1, s9;
	vm6 =	vgt.f32 v28, v19;
	v17 =	vsel vm12, v21, v17;
	v18 =	vsel vm11, v16, v18;
	v40 =	vld [tilespmem:s8+$0x30]  }
0xd0: {  	v24 =	vsel vm9, s31, v38;
	v25 =	vsel vm11, s7, v63;
	vm13 =	vgt.f32 v18, v11;
	v44 =	vld [tilespmem:s10+$0x30]  }
0xd1: {  	vm14 =	vgt.f32 v17, v12;
	v11 =	vsel vm13, v18, v11;
	v47 =	vsel vm13, v25, v24  }
0xd2: {  	vm15 =	vgt.f32 v11, v13;
	v49 =	vsub.f32 v41, v9;
	v50 =	vsub.f32 v43, v10;
	v46 =	vld [tilespmem:s0+$0x30]  }
0xd3: {  	v54 =	vsel vm6, v28, v19;
	v12 =	vsel vm14, v17, v12;
	v48 =	vsel vm15, v47, v15  }
0xd4: {  	s5 =	sadd.s32 $0x7, s9;
	v18 =	vsub.f32 v45, v8;
	v15 =	vmul.f32 v49, v49;
	v17 =	vmul.f32 v50, v50  }
0xd5: {  	v30 =	vsel vm12, s5, v39;
	v9 =	vsub.f32 v40, v9;
	v10 =	vsub.f32 v44, v10  }
0xd6: {  	v37 =	vld [tilespmem:s21+$0xFFFFFFF0];
	v56 =	vmov s22;
	v51 =	vmul.f32 v18, v18;
	v15 =	vadd.f32 v17, v15  }
0xd7: {  	s4 =	sadd.s32 $0x5, s9;
	s11 =	sadd.s32 $0x4, s22;
	v8 =	vsub.f32 v46, v8;
	v10 =	vmul.f32 v10, v10;
	v9 =	vmul.f32 v9, v9  }
0xd8: {  	v52 =	vld [tilespmem:s21+$0x30];
	v57 =	vmov s11;
	v31 =	vsel vm0, s4, v42;
	v11 =	vsel vm15, v11, v13  }
0xd9: {  	s23 =	sadd.s32 $0x5, s22;
	v8 =	vmul.f32 v8, v8;
	v9 =	vadd.f32 v10, v9;
	v10 =	vadd.f32 v51, v15  }
0xda: {  	v19 =	vsel vm6, s23, v57;
	v30 =	vsel vm14, v30, v31;
	vm5 =	vgt.f32 v12, v11  }
0xdb: {  	v11 =	vsel vm5, v12, v11;
	s8 =	sadd.s32 $0x2, s22;
	v8 =	vadd.f32 v8, v9;
	v9 =	vmin.f32 v37, v10  }
0xdc: {  	v13 =	vsel vm5, v30, v48;
	s10 =	sadd.s32 $0x1, s22;
	v55 =	vmov s8;
	vm7 =	vgt.f32 v9, v22  }
0xdd: {  	s9 =	sadd.s32 $0x6, s22;
	v17 =	vsel vm4, s10, v56;
	v8 =	vmin.f32 v52, v8;
	v58 =	vsel vm7, v9, v22  }
0xde: {  	s25 =	sadd.s32 $0x3, s22;
	v10 =	vmov s9;
	vm8 =	vgt.f32 v8, v23;
	vm9 =	vgt.f32 v58, v53  }
0xdf: {  	s24 =	sadd.s32 $0x7, s22;
	v15 =	vsel vm7, s25, v55;
	v59 =	vsel vm8, v8, v23;
	v12 =	vsel vm9, v58, v53  }
0xe0: {  	v10 =	vsel vm8, s24, v10;
	vm1 =	vgt.f32 v59, v54;
	vm10 =	vgt.f32 v12, v11  }
0xe1: {  	[tilespmem:s29+$0x30] =	vst v21;
	v15 =	vsel vm9, v15, v17;
	v14 =	vsel vm1, v59, v54;
	v11 =	vsel vm10, v12, v11  }
0xe2: {  	[tilespmem:s29+$0xFFFFFFF0] =	vst v16;
	v10 =	vsel vm1, v10, v19;
	v60 =	vsel vm10, v15, v13;
	vm11 =	vgt.f32 v14, v11  }
0xe3: {  	s30 =	sshll.u32 s28, $0x9;
	[tilespmem:s21+$0x30] =	vst v8;
	v8 =	vsel vm11, v10, v60  }
0xe4: {  	s0 =	sand.u32 $0x200, s30;
	[tilespmem:s21+$0xFFFFFFF0] =	vst v9;
	v9 =	vsel vm11, v14, v11;
	v8 =	vshll.u32 v8, $0x4  }
0xe5: {  	s0 =	sadd.s32 s0, s6;
	[tilespmem:$0xF080] =	vst v9;
	v8 =	vadd.s32 v8, v2  }
0xe6: {  	s31 =	sadd.s32 s18, s0;
	[tilespmem:$0xF090] =	vst v8  }
0xe7: {  	[spmem:s31] =	stream.linear.scatter [tilespmem:s19], [sflag:$0x1], $0x20, $0x38;
	[tilespmem:$0xF140] =	vst v63  }
0xe8: {  	_ =	swait.ge [sflag:s15], $0x20  }
0xe9: {  	[sflag:s15] =	ssyncset.done $0x0  }
0xea: {  	[sflag:s15] =	ssyncadd.s32 $0xFFFFFFE0  }
0xeb: {  	[bflag:$0x0] =	sbarrier.arrive $0xFFFF  }
0xec: {  	[tilespmem:s20], [sflag:$0x1] =	stream.linear.gather [spmem:s0], $0x80, $0x38;
	[tilespmem:$0xF140] =	vst v63  }
0xed: {  	_ =	swait.ge [sflag:s15], $0x80  }
0xee: {  	[sflag:s15] =	ssyncset.done $0x0  }
0xef: {  	[sflag:s15] =	ssyncadd.s32 $0xFFFFFF80  }
0xf0: {  	v8 =	vld [tilespmem:$0xF000]  }
0xf1: {  	v9 =	vld [tilespmem:$0xF020];
	_ =	sdelay $0x1  }
0xf2: {  	v10 =	vld [tilespmem:$0xF040];
	_ =	sdelay $0x1  }
0xf3: {  	v11 =	vld [tilespmem:$0xF060]  }
0xf4: {  	vm12 =	vgt.f32 v9, v8  }
0xf5: {  	v8 =	vsel vm12, v9, v8  }
0xf6: {  	vm13 =	vgt.f32 v10, v8  }
0xf7: {  	v8 =	vsel vm13, v10, v8  }
0xf8: {  	vm14 =	vgt.f32 v11, v8  }
0xf9: {  	v8 =	vsel vm14, v11, v8  }
0xfa: {  	v9 =	vperm.xlane v8, v3;
	_ =	sdelay $0x1  }
0xfb: {  	v9 =	vmax.f32 v8, v9  }
0xfc: {  	v10 =	vperm.xlane v9, v4  }
0xfd: {  	v61 =	vld [tilespmem:$0xF030]  }
0xfe: {  	v11 =	vld [tilespmem:$0xF010];
	v9 =	vmax.f32 v9, v10  }
0xff: {  	v10 =	vld [tilespmem:$0xF050];
	v62 =	vperm.xlane v9, v5  }
0x100: {  	v63 =	vld [tilespmem:$0xF070]  }
0x101: {  	v9 =	vmax.f32 v9, v62  }
0x102: {  	v13 =	vperm.xlane v9, v6  }
0x103: {  	v11 =	vsel vm12, v61, v11  }
0x104: {  	v10 =	vsel vm13, v10, v11;
	v9 =	vmax.f32 v9, v13  }
0x105: {  	v10 =	vsel vm14, v63, v10;
	vm15 =	veq.f32 v8, v9  }
0x106: {  	v8 =	vnsel vm15, $0x4000, v10  }
0x107: {  	v9 =	vperm.xlane v8, v3;
	_ =	sdelay $0x1  }
0x108: {  	vm0 =	vlt.s32 v8, v9  }
0x109: {  	v8 =	vsel vm0, v8, v9  }
0x10a: {  	v9 =	vperm.xlane v8, v4;
	_ =	sdelay $0x1  }
0x10b: {  	vm0 =	vlt.s32 v8, v9  }
0x10c: {  	v8 =	vsel vm0, v8, v9  }
0x10d: {  	v9 =	vperm.xlane v8, v5;
	_ =	sdelay $0x1  }
0x10e: {  	vm0 =	vlt.s32 v8, v9  }
0x10f: {  	v8 =	vsel vm0, v8, v9  }
0x110: {  	v9 =	vperm.xlane v8, v6;
	_ =	sdelay $0x1  }
0x111: {  	vm0 =	vlt.s32 v8, v9  }
0x112: {  	v11 =	vsel vm0, v8, v9;
	_ =	sdelay $0x2  }
0x113: {  	s28 =	sadd.s32 $0x1, s28  }
0x114: {  	p1 =	sne.s32 s28, $0x800  }
.Ltmp4:
0x115: {  	v10 =	vld.idx.msk [tilespmem:v11+s16+$0x0], $0xffff;
	(pc) =	sbr.rel @p1 .LBB2_4-.Ltmp4, $3  }
0x116: {  	_ =	sdelay $0x1  }
0x117: {  	v9 =	vld.idx.msk [tilespmem:v11+s2+$0x0], $0xffff  }
0x118: {  	v8 =	vld.idx.msk [tilespmem:v11+s17+$0x0], $0xffff  }
.Ltmp5:
0x119: {  	(pc) =	sbr.rel @p0 .LBB2_11-.Ltmp5, $2  }
0x11a: {  	_ =	sdelay $0x2  }
0x11b: {  	s1 =	rddreg [dreg:$0xc]  }
0x11c: {  	s0 =	simm.s32 $0xFFFFFFFC;
	s1 =	simm.s32 $0xE820  }
0x11d: {  	s3 =	simm.s32 $0xE020;
	s4 =	simm.s32 $0xD820;
	s5 =	simm.s32 $0xD020  }
.LBB2_9:
0x11e: {  	v7 =	vld [tilespmem:s5+$0xFFFFFFE0];
	_ =	sdelay $0x7  }
0x11f: {  	v8 =	vld.idx.msk [tilespmem:v7+s2+$0x0], $0xffff;
	_ =	sdelay $0x4  }
0x120: {  	[tilespmem:s4+$0xFFFFFFE0] =	vst v8  }
0x121: {  	v8 =	vld.idx.msk [tilespmem:v7+s16+$0x0], $0xffff;
	_ =	sdelay $0x4  }
0x122: {  	[tilespmem:s3+$0xFFFFFFE0] =	vst v8  }
0x123: {  	v7 =	vld.idx.msk [tilespmem:v7+s17+$0x0], $0xffff;
	_ =	sdelay $0x4  }
0x124: {  	[tilespmem:s1+$0xFFFFFFE0] =	vst v7  }
0x125: {  	v7 =	vld [tilespmem:s5+$0xFFFFFFF0];
	_ =	sdelay $0x7  }
0x126: {  	v8 =	vld.idx.msk [tilespmem:v7+s2+$0x0], $0xffff;
	_ =	sdelay $0x4  }
0x127: {  	[tilespmem:s4+$0xFFFFFFF0] =	vst v8  }
0x128: {  	v8 =	vld.idx.msk [tilespmem:v7+s16+$0x0], $0xffff;
	_ =	sdelay $0x4  }
0x129: {  	[tilespmem:s3+$0xFFFFFFF0] =	vst v8  }
0x12a: {  	v7 =	vld.idx.msk [tilespmem:v7+s17+$0x0], $0xffff;
	_ =	sdelay $0x4  }
0x12b: {  	[tilespmem:s1+$0xFFFFFFF0] =	vst v7  }
0x12c: {  	v7 =	vld [tilespmem:s5+$0x0];
	_ =	sdelay $0x7  }
0x12d: {  	v8 =	vld.idx.msk [tilespmem:v7+s2+$0x0], $0xffff;
	_ =	sdelay $0x4  }
0x12e: {  	[tilespmem:s4+$0x0] =	vst v8  }
0x12f: {  	v8 =	vld.idx.msk [tilespmem:v7+s16+$0x0], $0xffff;
	_ =	sdelay $0x4  }
0x130: {  	[tilespmem:s3+$0x0] =	vst v8  }
0x131: {  	v7 =	vld.idx.msk [tilespmem:v7+s17+$0x0], $0xffff;
	_ =	sdelay $0x4  }
0x132: {  	[tilespmem:s1+$0x0] =	vst v7  }
0x133: {  	v7 =	vld [tilespmem:s5+$0x10];
	_ =	sdelay $0x7  }
0x134: {  	v8 =	vld.idx.msk [tilespmem:v7+s2+$0x0], $0xffff;
	_ =	sdelay $0x4  }
0x135: {  	[tilespmem:s4+$0x10] =	vst v8  }
0x136: {  	v8 =	vld.idx.msk [tilespmem:v7+s16+$0x0], $0xffff;
	_ =	sdelay $0x4  }
0x137: {  	s0 =	sadd.s32 $0x4, s0;
	[tilespmem:s3+$0x10] =	vst v8  }
0x138: {  	p1 =	slt.u32 s0, $0x7C;
	v7 =	vld.idx.msk [tilespmem:v7+s17+$0x0], $0xffff  }
.Ltmp6:
0x139: {  	_ = 	snop;
	(pc) =	sbr.rel @p1 .LBB2_9-.Ltmp6, $3  }
0x13a: {  	_ =	sdelay $0x1  }
0x13b: {  	s5 =	sadd.s32 $0x40, s5  }
0x13c: {  	s4 =	sadd.s32 $0x40, s4;
	s3 =	sadd.s32 $0x40, s3;
	[tilespmem:s1+$0x10] =	vst v7;
	s1 =	sadd.s32 $0x40, s1  }
0x13d: {  	s0 =	rddreg [dreg:$0x7];
	s1 =	simm.s32 $0xD000  }
0x13e: {  	[hbm4b:s0+s2] =	stream.linear.scatter [tilespmem:s1], [sflag:$0x1], $0x800, $0x38;
	[tilespmem:$0xF140] =	vst v63  }
0x13f: {  	_ =	swait.ge [sflag:s15], $0x800  }
0x140: {  	[sflag:s15] =	ssyncset.done $0x0  }
0x141: {  	s25 =	simm.s32 $0xD800;
	s24 =	rddreg [dreg:$0x8];
	[sflag:s15] =	ssyncadd.s32 $0xFFFFF800  }
0x142: {  	[hbm4b:s24+s2] =	stream.linear.scatter [tilespmem:s25], [sflag:$0x1], $0x800, $0x38;
	[tilespmem:$0xF140] =	vst v63  }
0x143: {  	_ =	swait.ge [sflag:s15], $0x800  }
0x144: {  	[sflag:s15] =	ssyncset.done $0x0  }
0x145: {  	s29 =	simm.s32 $0xE000;
	s28 =	rddreg [dreg:$0x9];
	[sflag:s15] =	ssyncadd.s32 $0xFFFFF800  }
0x146: {  	[hbm4b:s28+s2] =	stream.linear.scatter [tilespmem:s29], [sflag:$0x1], $0x800, $0x38;
	[tilespmem:$0xF140] =	vst v63  }
0x147: {  	_ =	swait.ge [sflag:s15], $0x800  }
0x148: {  	s31 =	simm.s32 $0xE800;
	[sflag:s15] =	ssyncset.done $0x0  }
.Ltmp7:
0x149: {  	s30 =	rddreg [dreg:$0xa];
	[sflag:s15] =	ssyncadd.s32 $0xFFFFF800;
	(pc) =	sbr.rel .LBB2_11-.Ltmp7, $4  }
0x14a: {  	[hbm4b:s30+s2] =	stream.linear.scatter [tilespmem:s31], [sflag:$0x1], $0x800, $0x38;
	[tilespmem:$0xF140] =	vst v63  }
0x14b: {  	_ =	swait.ge [sflag:s15], $0x800  }
0x14c: {  	[sflag:s15] =	ssyncset.done $0x0  }
0x14d: {  	s1 =	rddreg [dreg:$0xc];
	[sflag:s15] =	ssyncadd.s32 $0xFFFFF800  }
.LBB2_12:
0x14e: {  	_ =	sfence.sel $0x180000  }
0x14f: {  	[bflag:$0x0] =	sbarrier.arrive $0xFFFF  }
0x150: {  	_ =	strace $0x90000047  }
0x151: {  	s0 =	stileid.u32;
	[bflag:$0x2] =	sbarrier.arrive $0xFFFF  }
0x152: {  	p0 =	sne.s32 s0, $0x0;
	s0 =	rddreg [dreg:$0x3]  }
0x153: {  	s0 =	sadd.s32 @!p0 $0x100000, s0  }
0x154: {  	[sflag:s0] =	ssyncadd.tile.s32 @!p0 $0x1;
	_ =	shalt  }
.Lfunc_end2:
_tile_overlayer_lowered:
.L_overlay_start_2:
0x155: {  	(tag) =	ssettag $0x2  }
0x156: {  	s0 =	rddreg [dreg:$0x0];
	s2 =	stileid.u32  }
0x157: {  	s1 =	rddreg [dreg:$0x1];
	p0 =	sne.s32 s2, $0x0  }
0x158: {  	s3 =	rddreg [dreg:$0x2];
	[bflag:$0x3] =	sbarrier.arrive $0xFFFF;
	s2 =	simm.s32 @!p0 $0x1C01  }
0x159: {  	[timem:s3], [sflag:s2] =	dma.local @!p0 [hbm:s0], s1  }
0x15a: {  	s0 =	simm.s32 @!p0 $0x1  }
0x15b: {  	_ =	swait.ge @!p0 [sflag:s0], s1  }
0x15c: {  	s1 =	ssub.s32 @!p0 $0x0, s1;
	[sflag:s0] =	ssyncset.done @!p0 $0x0  }
0x15d: {  	[sflag:s0] =	ssyncadd.s32 @!p0 s1  }
0x15e: {  	[bflag:$0x3] =	sbarrier.arrive $0xFFFF  }
0x15f: {  	_ =	shalt  }

</sc_bundles>
